<compile_context>
chip_gen: v7x
topology: tpu7x:2x2x1
jax: 0.10.2.dev20260603
libtpu: 0.0.44.dev20260713+nightly
codegen_flags: <defaults>
</compile_context>

<pallas_src>
import functools

import jax
import jax.numpy as jnp
from jax import lax
from jax.experimental import pallas as pl
from jax.experimental.pallas import tpu as pltpu
from jax.experimental.pallas import tpu_sc as plsc

_B = 64
_CAND = 32
_SW = 64
_C = 100
_K = 10
_R = _B * _CAND * _SW
_NC = 2
_NS = 16
_NW = _NC * _NS
_RPW = _R // _NW
_CHUNK = 128
_NCHUNK = _RPW // _CHUNK
_G = 16
_GPC = _CHUNK // _G
_RPB = _CAND * _SW
_CPB = _RPB // _CHUNK


def _insert(ms, x):
    out = [jnp.maximum(x, ms[0])]
    for i in range(1, len(ms)):
        out.append(jnp.maximum(jnp.minimum(x, ms[i - 1]), ms[i]))
    return tuple(out)


@functools.partial(
    pl.kernel,
    out_type=jax.ShapeDtypeStruct((_R, _C), jnp.float32),
    mesh=plsc.VectorSubcoreMesh(core_axis_name="c", subcore_axis_name="s"),
    compiler_params=pltpu.CompilerParams(needs_layout_passes=False),
    scratch_types=[
        pltpu.VMEM((_CHUNK, _C), jnp.float32),
        pltpu.VMEM((_CHUNK, _C), jnp.float32),
        pltpu.VMEM((_CHUNK, _C), jnp.float32),
        pltpu.VMEM((_CHUNK, _C), jnp.float32),
        pltpu.VMEM((_G * _C,), jnp.float32),
        pltpu.VMEM((_G * _C,), jnp.int32),
        pltpu.VMEM((2, _C), jnp.float32),
        pltpu.SemaphoreType.DMA,
        pltpu.SemaphoreType.DMA,
        pltpu.SemaphoreType.DMA,
        pltpu.SemaphoreType.DMA,
    ],
)
def _topk_mask_norm(a_hbm, mask_hbm, out_hbm, in0, in1, out0, out1, tbuf,
                    idxtab, mask_v, sin0, sin1, sout0, sout1):
    wid = lax.axis_index("s") * _NC + lax.axis_index("c")
    row0 = wid * _RPW
    pltpu.sync_copy(mask_hbm.at[pl.ds(2 * wid, 2)], mask_v)
    iota = lax.iota(jnp.int32, 16)
    neg_inf = jnp.full((16,), -jnp.inf, jnp.float32)
    zero = jnp.zeros((16,), jnp.float32)

    @plsc.parallel_loop(0, 96)
    def _build(t):
        idxtab[pl.ds(t * _G, _G)] = (
            jnp.bitwise_and(t, -16) + jnp.bitwise_and(t + iota, 15))

    for d in range(4):
        idxtab[pl.ds((96 + d) * _G, _G)] = 96 + jnp.bitwise_and(d + iota, 3)

    def in_copy(ci, buf, sem):
        crow = row0 + ci * _CHUNK
        return pltpu.make_async_copy(a_hbm.at[pl.ds(crow, _CHUNK)], buf, sem)

    def out_copy(ci, buf, sem):
        crow = row0 + ci * _CHUNK
        return pltpu.make_async_copy(buf, out_hbm.at[pl.ds(crow, _CHUNK)], sem)

    def compute(ci, inbuf, outbuf):
        b_local = ci // _CPB
        b_vec = jnp.broadcast_to(jnp.bitwise_and(b_local, 7), (_G,))

        def group_body(g, carry2):
            rows = g * _G + iota

            @plsc.parallel_loop(0, _C, carry=(neg_inf,) * _K, unroll=4)
            def p1(t, ms):
                cv = idxtab[pl.ds(t * _G, _G)]
                x = plsc.load_gather(inbuf, [rows, cv])
                tbuf[pl.ds(t * _G, _G)] = x
                return _insert(ms, x)

            ms = p1
            m0, thr = ms[0], ms[_K - 1]

            @plsc.parallel_loop(0, _C, carry=(zero, zero), unroll=4)
            def p2(t, zs):
                z, s = zs
                x = tbuf[pl.ds(t * _G, _G)]
                e = jnp.where(x >= thr, jnp.exp(x - m0), 0.0)
                cv = idxtab[pl.ds(t * _G, _G)]
                mvec = plsc.load_gather(mask_v, [b_vec, cv])
                tv = e * mvec
                tbuf[pl.ds(t * _G, _G)] = tv
                return (z + e, s + tv)

            z, s = p2
            inv = 1.0 / (s + 1e-8 * z)

            @plsc.parallel_loop(0, _C, unroll=4)
            def p3(t):
                tv = tbuf[pl.ds(t * _G, _G)]
                cv = idxtab[pl.ds(t * _G, _G)]
                plsc.store_scatter(outbuf, [rows, cv], tv * inv)

            return carry2

        lax.fori_loop(0, _GPC, group_body, 0)

    in_copy(0, in0, sin0).start()

    def pair_body(k, carry):
        ci0 = 2 * k
        ci1 = ci0 + 1
        in_copy(ci0, in0, sin0).wait()
        in_copy(ci1, in1, sin1).start()

        @pl.when(k > 0)
        def _():
            out_copy(ci0 - 2, out0, sout0).wait()

        compute(ci0, in0, out0)
        out_copy(ci0, out0, sout0).start()

        in_copy(ci1, in1, sin1).wait()

        @pl.when(k < _NCHUNK // 2 - 1)
        def _():
            in_copy(ci1 + 1, in0, sin0).start()

        @pl.when(k > 0)
        def _():
            out_copy(ci1 - 2, out1, sout1).wait()

        compute(ci1, in1, out1)
        out_copy(ci1, out1, sout1).start()
        return carry

    lax.fori_loop(0, _NCHUNK // 2, pair_body, 0)
    out_copy(_NCHUNK - 2, out0, sout0).wait()
    out_copy(_NCHUNK - 1, out1, sout1).wait()


def kernel(a, mask):
    out = _topk_mask_norm(a.reshape(_R, _C), mask)
    return out.reshape(_B, _CAND, _SW, _C)

# --- scband reference (transcript-rebuilt; emitter-appended) ---
"""Pipeline reference for scband-simple-ctx-cnnlocal-ent-link-model-50431505990118 (READ-ONLY COPY).

The authoritative reference and input builder live on the scoring server;
editing this copy changes nothing except your own understanding.
"""

import jax, jax.numpy as jnp
import numpy as np

NUM_TOP = 10
S2_WIDTH_0_1 = 64
CAND_NUMS = 32
BATCH = 64


def setup_inputs(seed: int = 0) -> dict:
    key = jax.random.key(seed)
    k1, k2 = jax.random.split(key)
    a = jax.random.normal(k1, (BATCH, CAND_NUMS, S2_WIDTH_0_1, 100), dtype=jnp.float32)
    # mask is a 0/1 validity mask over the 100 attention positions
    mask = (jax.random.uniform(k2, (BATCH, 100)) > 0.2).astype(jnp.float32)
    return {"a": a, "mask": mask}


def reference(a, mask):
    # Faithful port of get_top_k(a, mask, num_top, s2_width_0_1, cand_nums)
    a2 = jnp.reshape(a, (-1, 100))
    a_top, a_top_idx = jax.lax.top_k(a2, NUM_TOP)
    a_top_sm = jax.nn.softmax(a_top, axis=-1)
    n_rows = a2.shape[0]
    row_idx = jnp.broadcast_to(jnp.arange(n_rows)[:, None], (n_rows, NUM_TOP))
    # tf.scatter_nd accumulates (adds) into a zero tensor
    result = jnp.zeros_like(a2).at[row_idx, a_top_idx].add(a_top_sm)
    result = jnp.reshape(result, (-1, CAND_NUMS, S2_WIDTH_0_1, 100))
    mask4 = mask[:, None, None, :]  # tile over cand_nums and s2_width_0_1 via broadcast
    result = result * mask4
    result = result / (jnp.sum(result, axis=-1, keepdims=True) + 1e-08)
    return result

if __name__ == "__main__":
    import jax
    _d = setup_inputs()
    print(jax.jit(kernel)(*tuple(_d.values())))

</pallas_src>

<mosaic_0001>
#map = affine_map<(d0, d1) -> (0, 0)>
module attributes {stable_mosaic.version = 14 : i64} {
  func.func @_topk_mask_norm(%arg0: i32, %arg1: i32, %arg2: memref<131072x100xf32, #tpu.memory_space<hbm>>, %arg3: memref<64x100xf32, #tpu.memory_space<hbm>>, %arg4: memref<131072x100xf32, #tpu.memory_space<hbm>>, %arg5: memref<128x100xf32, #tpu.memory_space<vmem>>, %arg6: memref<128x100xf32, #tpu.memory_space<vmem>>, %arg7: memref<128x100xf32, #tpu.memory_space<vmem>>, %arg8: memref<128x100xf32, #tpu.memory_space<vmem>>, %arg9: memref<1600xf32, #tpu.memory_space<vmem>>, %arg10: memref<1600xi32, #tpu.memory_space<vmem>>, %arg11: memref<2x100xf32, #tpu.memory_space<vmem>>, %arg12: memref<!tpu.dma_semaphore, #tpu.memory_space<semaphore_mem>>, %arg13: memref<!tpu.dma_semaphore, #tpu.memory_space<semaphore_mem>>, %arg14: memref<!tpu.dma_semaphore, #tpu.memory_space<semaphore_mem>>, %arg15: memref<!tpu.dma_semaphore, #tpu.memory_space<semaphore_mem>>) attributes {dimension_semantics = [#tpu.dimension_semantics<core_parallel>, #tpu.dimension_semantics<subcore_parallel>], iteration_bounds = array<i64: 2, 16>, scalar_prefetch = 0 : i64, scratch_operands = 11 : i64, tpu.core_type = #tpu.core_type<sc_vector_subcore>, window_params = [{transform_indices = #map}, {transform_indices = #map}, {transform_indices = #map}]} {
    %mul3A = arith.constant 2 : i32
    %mul3A_0 = arith.muli %arg1, %mul3A : i32
    %add3A = arith.addi %mul3A_0, %arg0 : i32
    %mul3A_1 = arith.constant 4096 : i32
    %mul3A_2 = arith.muli %add3A, %mul3A_1 : i32
    %mul3A_3 = arith.constant 2 : i32
    %mul3A_4 = arith.muli %mul3A_3, %add3A : i32
    "tpu.region"() ({
      %run_scoped3A = tpu.sem_alloc : memref<!tpu.dma_semaphore, #tpu.memory_space<semaphore_mem>>
      %dma_start3A_73 = arith.constant 0 : i32
      %dma_start3A_74 = tpu.memref_slice %arg3[%mul3A_4, %dma_start3A_73] : memref<64x100xf32, #tpu.memory_space<hbm>> -> memref<2x100xf32, #tpu.memory_space<hbm>>
      %dma_start3A_75 = arith.constant 0 : i32
      %dma_start3A_76 = tpu.memref_slice %arg3[%mul3A_4, %dma_start3A_75] : memref<64x100xf32, #tpu.memory_space<hbm>> -> memref<2x100xf32, #tpu.memory_space<hbm>>
      tpu.enqueue_dma source(%dma_start3A_76 : memref<2x100xf32, #tpu.memory_space<hbm>>) target(%arg11 : memref<2x100xf32, #tpu.memory_space<vmem>>) target_semaphore(%run_scoped3A : memref<!tpu.dma_semaphore, #tpu.memory_space<semaphore_mem>>)
      %dma_wait3A_77 = arith.constant 0 : i32
      %dma_wait3A_78 = tpu.memref_slice %arg3[%mul3A_4, %dma_wait3A_77] : memref<64x100xf32, #tpu.memory_space<hbm>> -> memref<2x100xf32, #tpu.memory_space<hbm>>
      %dma_wait3A_79 = arith.constant 0 : i32
      %dma_wait3A_80 = tpu.memref_slice %arg3[%mul3A_4, %dma_wait3A_79] : memref<64x100xf32, #tpu.memory_space<hbm>> -> memref<2x100xf32, #tpu.memory_space<hbm>>
      tpu.wait_dma2 semaphore(%run_scoped3A : memref<!tpu.dma_semaphore, #tpu.memory_space<semaphore_mem>>) src(%dma_wait3A_80 : memref<2x100xf32, #tpu.memory_space<hbm>>) dst(%arg11 : memref<2x100xf32, #tpu.memory_space<vmem>>)
      tpu.yield
    }) : () -> ()
    %iota3A = tpu.iota {dimensions = array<i32: 0>} : vector<16xi32>
    %broadcast_in_dim3A = arith.constant 0xFF800000 : f32
    %broadcast_in_dim3A_5 = vector.broadcast %broadcast_in_dim3A : f32 to vector<16xf32>
    %broadcast_in_dim3A_6 = arith.constant 0.000000e+00 : f32
    %broadcast_in_dim3A_7 = vector.broadcast %broadcast_in_dim3A_6 : f32 to vector<16xf32>
    %parallel_loop3A = arith.constant 0 : i32
    %parallel_loop3A_8 = arith.constant 96 : i32
    %parallel_loop3A_9 = arith.constant 1 : i32
    scf.for %parallel_loop3A_73 = %parallel_loop3A to %parallel_loop3A_8 step %parallel_loop3A_9  : i32 {
      %parallel_loop3A_74 = arith.constant -16 : i32
      %parallel_loop3A_75 = arith.andi %parallel_loop3A_73, %parallel_loop3A_74 : i32
      %parallel_loop3A_76 = vector.broadcast %parallel_loop3A_73 : i32 to vector<16xi32>
      %parallel_loop3A_77 = arith.addi %parallel_loop3A_76, %iota3A : vector<16xi32>
      %parallel_loop3A_78 = arith.constant 15 : i32
      %parallel_loop3A_79 = vector.broadcast %parallel_loop3A_78 : i32 to vector<16xi32>
      %parallel_loop3A_80 = arith.andi %parallel_loop3A_77, %parallel_loop3A_79 : vector<16xi32>
      %parallel_loop3A_81 = vector.broadcast %parallel_loop3A_75 : i32 to vector<16xi32>
      %parallel_loop3A_82 = arith.addi %parallel_loop3A_81, %parallel_loop3A_80 : vector<16xi32>
      %parallel_loop3A_83 = arith.constant 16 : i32
      %parallel_loop3A_84 = arith.muli %parallel_loop3A_73, %parallel_loop3A_83 : i32
      %parallel_loop3A_85 = arith.index_cast %parallel_loop3A_84 : i32 to index
      %parallel_loop3A_86 = tpu.vector_load %arg10[%parallel_loop3A_85] {strides = array<i32>} : memref<1600xi32, #tpu.memory_space<vmem>>, vector<16xi32>,
      tpu.vector_store %arg10[%parallel_loop3A_85], %parallel_loop3A_82 {strides = array<i32>} : memref<1600xi32, #tpu.memory_space<vmem>>, vector<16xi32>,
    } {sc.loop_unroll_factor = 1 : i64, sc.parallel_access}
    %add3A_10 = arith.constant 0 : i32
    %add3A_11 = vector.broadcast %add3A_10 : i32 to vector<16xi32>
    %add3A_12 = arith.addi %add3A_11, %iota3A : vector<16xi32>
    %and3A = arith.constant 3 : i32
    %and3A_13 = vector.broadcast %and3A : i32 to vector<16xi32>
    %and3A_14 = arith.andi %add3A_12, %and3A_13 : vector<16xi32>
    %add3A_15 = arith.constant 96 : i32
    %add3A_16 = vector.broadcast %add3A_15 : i32 to vector<16xi32>
    %add3A_17 = arith.addi %add3A_16, %and3A_14 : vector<16xi32>
    %swap3A = arith.constant 1536 : index
    %swap3A_18 = tpu.vector_load %arg10[%swap3A] {strides = array<i32>} : memref<1600xi32, #tpu.memory_space<vmem>>, vector<16xi32>,
    tpu.vector_store %arg10[%swap3A], %add3A_17 {strides = array<i32>} : memref<1600xi32, #tpu.memory_space<vmem>>, vector<16xi32>,
    %add3A_19 = arith.constant 1 : i32
    %add3A_20 = vector.broadcast %add3A_19 : i32 to vector<16xi32>
    %add3A_21 = arith.addi %add3A_20, %iota3A : vector<16xi32>
    %and3A_22 = arith.constant 3 : i32
    %and3A_23 = vector.broadcast %and3A_22 : i32 to vector<16xi32>
    %and3A_24 = arith.andi %add3A_21, %and3A_23 : vector<16xi32>
    %add3A_25 = arith.constant 96 : i32
    %add3A_26 = vector.broadcast %add3A_25 : i32 to vector<16xi32>
    %add3A_27 = arith.addi %add3A_26, %and3A_24 : vector<16xi32>
    %swap3A_28 = arith.constant 1552 : index
    %swap3A_29 = tpu.vector_load %arg10[%swap3A_28] {strides = array<i32>} : memref<1600xi32, #tpu.memory_space<vmem>>, vector<16xi32>,
    tpu.vector_store %arg10[%swap3A_28], %add3A_27 {strides = array<i32>} : memref<1600xi32, #tpu.memory_space<vmem>>, vector<16xi32>,
    %add3A_30 = arith.constant 2 : i32
    %add3A_31 = vector.broadcast %add3A_30 : i32 to vector<16xi32>
    %add3A_32 = arith.addi %add3A_31, %iota3A : vector<16xi32>
    %and3A_33 = arith.constant 3 : i32
    %and3A_34 = vector.broadcast %and3A_33 : i32 to vector<16xi32>
    %and3A_35 = arith.andi %add3A_32, %and3A_34 : vector<16xi32>
    %add3A_36 = arith.constant 96 : i32
    %add3A_37 = vector.broadcast %add3A_36 : i32 to vector<16xi32>
    %add3A_38 = arith.addi %add3A_37, %and3A_35 : vector<16xi32>
    %swap3A_39 = arith.constant 1568 : index
    %swap3A_40 = tpu.vector_load %arg10[%swap3A_39] {strides = array<i32>} : memref<1600xi32, #tpu.memory_space<vmem>>, vector<16xi32>,
    tpu.vector_store %arg10[%swap3A_39], %add3A_38 {strides = array<i32>} : memref<1600xi32, #tpu.memory_space<vmem>>, vector<16xi32>,
    %add3A_41 = arith.constant 3 : i32
    %add3A_42 = vector.broadcast %add3A_41 : i32 to vector<16xi32>
    %add3A_43 = arith.addi %add3A_42, %iota3A : vector<16xi32>
    %and3A_44 = arith.constant 3 : i32
    %and3A_45 = vector.broadcast %and3A_44 : i32 to vector<16xi32>
    %and3A_46 = arith.andi %add3A_43, %and3A_45 : vector<16xi32>
    %add3A_47 = arith.constant 96 : i32
    %add3A_48 = vector.broadcast %add3A_47 : i32 to vector<16xi32>
    %add3A_49 = arith.addi %add3A_48, %and3A_46 : vector<16xi32>
    %swap3A_50 = arith.constant 1584 : index
    %swap3A_51 = tpu.vector_load %arg10[%swap3A_50] {strides = array<i32>} : memref<1600xi32, #tpu.memory_space<vmem>>, vector<16xi32>,
    tpu.vector_store %arg10[%swap3A_50], %add3A_49 {strides = array<i32>} : memref<1600xi32, #tpu.memory_space<vmem>>, vector<16xi32>,
    %add3A_52 = arith.constant 0 : i32
    %add3A_53 = arith.addi %mul3A_2, %add3A_52 : i32
    %dma_start3A = arith.constant 0 : i32
    %dma_start3A_54 = tpu.memref_slice %arg2[%add3A_53, %dma_start3A] : memref<131072x100xf32, #tpu.memory_space<hbm>> -> memref<128x100xf32, #tpu.memory_space<hbm>>
    %dma_start3A_55 = arith.constant 0 : i32
    %dma_start3A_56 = tpu.memref_slice %arg2[%add3A_53, %dma_start3A_55] : memref<131072x100xf32, #tpu.memory_space<hbm>> -> memref<128x100xf32, #tpu.memory_space<hbm>>
    tpu.enqueue_dma source(%dma_start3A_56 : memref<128x100xf32, #tpu.memory_space<hbm>>) target(%arg5 : memref<128x100xf32, #tpu.memory_space<vmem>>) target_semaphore(%arg12 : memref<!tpu.dma_semaphore, #tpu.memory_space<semaphore_mem>>)
    %scan3A = arith.constant 0 : i32
    %scan3A_57 = arith.constant 0 : i32
    %scan3A_58 = arith.constant 16 : i32
    %scan3A_59 = arith.addi %scan3A_57, %scan3A_58 : i32
    %scan3A_60 = arith.constant 1 : i32
    scf.for %scan3A_73 = %scan3A_57 to %scan3A_59 step %scan3A_60  : i32 {
      %mul3A_74 = arith.constant 2 : i32
      %mul3A_75 = arith.muli %mul3A_74, %scan3A_73 : i32
      %add3A_76 = arith.constant 1 : i32
      %add3A_77 = arith.addi %mul3A_75, %add3A_76 : i32
      %mul3A_78 = arith.constant 128 : i32
      %mul3A_79 = arith.muli %mul3A_75, %mul3A_78 : i32
      %add3A_80 = arith.addi %mul3A_2, %mul3A_79 : i32
      %dma_wait3A_81 = arith.constant 0 : i32
      %dma_wait3A_82 = tpu.memref_slice %arg2[%add3A_80, %dma_wait3A_81] : memref<131072x100xf32, #tpu.memory_space<hbm>> -> memref<128x100xf32, #tpu.memory_space<hbm>>
      %dma_wait3A_83 = arith.constant 0 : i32
      %dma_wait3A_84 = tpu.memref_slice %arg2[%add3A_80, %dma_wait3A_83] : memref<131072x100xf32, #tpu.memory_space<hbm>> -> memref<128x100xf32, #tpu.memory_space<hbm>>
      tpu.wait_dma2 semaphore(%arg12 : memref<!tpu.dma_semaphore, #tpu.memory_space<semaphore_mem>>) src(%dma_wait3A_84 : memref<128x100xf32, #tpu.memory_space<hbm>>) dst(%arg5 : memref<128x100xf32, #tpu.memory_space<vmem>>)
      %mul3A_85 = arith.constant 128 : i32
      %mul3A_86 = arith.muli %add3A_77, %mul3A_85 : i32
      %add3A_87 = arith.addi %mul3A_2, %mul3A_86 : i32
      %dma_start3A_88 = arith.constant 0 : i32
      %dma_start3A_89 = tpu.memref_slice %arg2[%add3A_87, %dma_start3A_88] : memref<131072x100xf32, #tpu.memory_space<hbm>> -> memref<128x100xf32, #tpu.memory_space<hbm>>
      %dma_start3A_90 = arith.constant 0 : i32
      %dma_start3A_91 = tpu.memref_slice %arg2[%add3A_87, %dma_start3A_90] : memref<131072x100xf32, #tpu.memory_space<hbm>> -> memref<128x100xf32, #tpu.memory_space<hbm>>
      tpu.enqueue_dma source(%dma_start3A_91 : memref<128x100xf32, #tpu.memory_space<hbm>>) target(%arg6 : memref<128x100xf32, #tpu.memory_space<vmem>>) target_semaphore(%arg13 : memref<!tpu.dma_semaphore, #tpu.memory_space<semaphore_mem>>)
      %gt3A = arith.constant 0 : i32
      %gt3A_92 = arith.cmpi sgt, %scan3A_73, %gt3A : i32
      %convert_element_type3A = arith.extui %gt3A_92 : i1 to i32
      %cond3A = arith.constant 0 : i32
      %cond3A_93 = arith.cmpi ne, %convert_element_type3A, %cond3A : i32
      scf.if %cond3A_93 {
        %sub3A_183 = arith.constant 2 : i32
        %sub3A_184 = arith.subi %mul3A_75, %sub3A_183 : i32
        %mul3A_185 = arith.constant 128 : i32
        %mul3A_186 = arith.muli %sub3A_184, %mul3A_185 : i32
        %add3A_187 = arith.addi %mul3A_2, %mul3A_186 : i32
        %dma_wait3A_188 = arith.constant 0 : i32
        %dma_wait3A_189 = tpu.memref_slice %arg4[%add3A_187, %dma_wait3A_188] : memref<131072x100xf32, #tpu.memory_space<hbm>> -> memref<128x100xf32, #tpu.memory_space<hbm>>
        %dma_wait3A_190 = arith.constant 0 : i32
        %dma_wait3A_191 = tpu.memref_slice %arg4[%add3A_187, %dma_wait3A_190] : memref<131072x100xf32, #tpu.memory_space<hbm>> -> memref<128x100xf32, #tpu.memory_space<hbm>>
        tpu.wait_dma2 semaphore(%arg14 : memref<!tpu.dma_semaphore, #tpu.memory_space<semaphore_mem>>) src(%arg7 : memref<128x100xf32, #tpu.memory_space<vmem>>) dst(%dma_wait3A_191 : memref<128x100xf32, #tpu.memory_space<hbm>>)
      } else {
      }
      %jit3A = arith.constant 16 : i32
      %div3A = arith.divsi %mul3A_75, %jit3A : i32
      %sign3A = arith.constant 0 : i32
      %sign3A_94 = arith.cmpi sgt, %mul3A_75, %sign3A : i32
      %sign3A_95 = arith.extui %sign3A_94 : i1 to i32
      %sign3A_96 = arith.constant 0 : i32
      %sign3A_97 = arith.cmpi slt, %mul3A_75, %sign3A_96 : i32
      %sign3A_98 = arith.extui %sign3A_97 : i1 to i32
      %sign3A_99 = arith.subi %sign3A_95, %sign3A_98 : i32
      %sign3A_100 = arith.constant 0 : i32
      %sign3A_101 = arith.cmpi sgt, %jit3A, %sign3A_100 : i32
      %sign3A_102 = arith.extui %sign3A_101 : i1 to i32
      %sign3A_103 = arith.constant 0 : i32
      %sign3A_104 = arith.cmpi slt, %jit3A, %sign3A_103 : i32
      %sign3A_105 = arith.extui %sign3A_104 : i1 to i32
      %sign3A_106 = arith.subi %sign3A_102, %sign3A_105 : i32
      %ne3A = arith.cmpi ne, %sign3A_99, %sign3A_106 : i32
      %rem3A = arith.remsi %mul3A_75, %jit3A : i32
      %ne3A_107 = arith.constant 0 : i32
      %ne3A_108 = arith.cmpi ne, %rem3A, %ne3A_107 : i32
      %and3A_109 = arith.andi %ne3A, %ne3A_108 : i1
      %sub3A = arith.constant 1 : i32
      %sub3A_110 = arith.subi %div3A, %sub3A : i32
      %select_n3A = arith.select %and3A_109, %sub3A_110, %div3A : i32
      %and3A_111 = arith.constant 7 : i32
      %and3A_112 = arith.andi %select_n3A, %and3A_111 : i32
      %broadcast_in_dim3A_113 = vector.broadcast %and3A_112 : i32 to vector<16xi32>
      %scan3A_114 = arith.constant 0 : i32
      %scan3A_115 = arith.constant 0 : i32
      %scan3A_116 = arith.constant 8 : i32
      %scan3A_117 = arith.addi %scan3A_115, %scan3A_116 : i32
      %scan3A_118 = arith.constant 1 : i32
      scf.for %scan3A_183 = %scan3A_115 to %scan3A_117 step %scan3A_118  : i32 {
        %mul3A_184 = arith.constant 16 : i32
        %mul3A_185 = arith.muli %scan3A_183, %mul3A_184 : i32
        %add3A_186 = vector.broadcast %mul3A_185 : i32 to vector<16xi32>
        %add3A_187 = arith.addi %add3A_186, %iota3A : vector<16xi32>
        %parallel_loop3A_188 = arith.constant 0 : i32
        %parallel_loop3A_189 = arith.constant 100 : i32
        %parallel_loop3A_190 = arith.constant 1 : i32
        %parallel_loop3A_191:10 = scf.for %parallel_loop3A_206 = %parallel_loop3A_188 to %parallel_loop3A_189 step %parallel_loop3A_190 iter_args(%parallel_loop3A_207 = %broadcast_in_dim3A_5, %parallel_loop3A_208 = %broadcast_in_dim3A_5, %parallel_loop3A_209 = %broadcast_in_dim3A_5, %parallel_loop3A_210 = %broadcast_in_dim3A_5, %parallel_loop3A_211 = %broadcast_in_dim3A_5, %parallel_loop3A_212 = %broadcast_in_dim3A_5, %parallel_loop3A_213 = %broadcast_in_dim3A_5, %parallel_loop3A_214 = %broadcast_in_dim3A_5, %parallel_loop3A_215 = %broadcast_in_dim3A_5, %parallel_loop3A_216 = %broadcast_in_dim3A_5) -> (vector<16xf32>, vector<16xf32>, vector<16xf32>, vector<16xf32>, vector<16xf32>, vector<16xf32>, vector<16xf32>, vector<16xf32>, vector<16xf32>, vector<16xf32>)  : i32 {
          %parallel_loop3A_217 = arith.constant 16 : i32
          %parallel_loop3A_218 = arith.muli %parallel_loop3A_206, %parallel_loop3A_217 : i32
          %parallel_loop3A_219 = arith.index_cast %parallel_loop3A_218 : i32 to index
          %parallel_loop3A_220 = tpu.vector_load %arg10[%parallel_loop3A_219] {strides = array<i32>} : memref<1600xi32, #tpu.memory_space<vmem>>, vector<16xi32>,
          %parallel_loop3A_221 = tpu.vector_load_idx %arg5[%add3A_187, %parallel_loop3A_220] : memref<128x100xf32, #tpu.memory_space<vmem>>[vector<16xi32>, vector<16xi32>], vector<16xf32>,
          %parallel_loop3A_222 = arith.constant 16 : i32
          %parallel_loop3A_223 = arith.muli %parallel_loop3A_206, %parallel_loop3A_222 : i32
          %parallel_loop3A_224 = arith.index_cast %parallel_loop3A_223 : i32 to index
          %parallel_loop3A_225 = tpu.vector_load %arg9[%parallel_loop3A_224] {strides = array<i32>} : memref<1600xf32, #tpu.memory_space<vmem>>, vector<16xf32>,
          tpu.vector_store %arg9[%parallel_loop3A_224], %parallel_loop3A_221 {strides = array<i32>} : memref<1600xf32, #tpu.memory_space<vmem>>, vector<16xf32>,
          %parallel_loop3A_226 = arith.maximumf %parallel_loop3A_221, %parallel_loop3A_207 : vector<16xf32>
          %parallel_loop3A_227 = arith.minimumf %parallel_loop3A_221, %parallel_loop3A_207 : vector<16xf32>
          %parallel_loop3A_228 = arith.maximumf %parallel_loop3A_227, %parallel_loop3A_208 : vector<16xf32>
          %parallel_loop3A_229 = arith.minimumf %parallel_loop3A_221, %parallel_loop3A_208 : vector<16xf32>
          %parallel_loop3A_230 = arith.maximumf %parallel_loop3A_229, %parallel_loop3A_209 : vector<16xf32>
          %parallel_loop3A_231 = arith.minimumf %parallel_loop3A_221, %parallel_loop3A_209 : vector<16xf32>
          %parallel_loop3A_232 = arith.maximumf %parallel_loop3A_231, %parallel_loop3A_210 : vector<16xf32>
          %parallel_loop3A_233 = arith.minimumf %parallel_loop3A_221, %parallel_loop3A_210 : vector<16xf32>
          %parallel_loop3A_234 = arith.maximumf %parallel_loop3A_233, %parallel_loop3A_211 : vector<16xf32>
          %parallel_loop3A_235 = arith.minimumf %parallel_loop3A_221, %parallel_loop3A_211 : vector<16xf32>
          %parallel_loop3A_236 = arith.maximumf %parallel_loop3A_235, %parallel_loop3A_212 : vector<16xf32>
          %parallel_loop3A_237 = arith.minimumf %parallel_loop3A_221, %parallel_loop3A_212 : vector<16xf32>
          %parallel_loop3A_238 = arith.maximumf %parallel_loop3A_237, %parallel_loop3A_213 : vector<16xf32>
          %parallel_loop3A_239 = arith.minimumf %parallel_loop3A_221, %parallel_loop3A_213 : vector<16xf32>
          %parallel_loop3A_240 = arith.maximumf %parallel_loop3A_239, %parallel_loop3A_214 : vector<16xf32>
          %parallel_loop3A_241 = arith.minimumf %parallel_loop3A_221, %parallel_loop3A_214 : vector<16xf32>
          %parallel_loop3A_242 = arith.maximumf %parallel_loop3A_241, %parallel_loop3A_215 : vector<16xf32>
          %parallel_loop3A_243 = arith.minimumf %parallel_loop3A_221, %parallel_loop3A_215 : vector<16xf32>
          %parallel_loop3A_244 = arith.maximumf %parallel_loop3A_243, %parallel_loop3A_216 : vector<16xf32>
          scf.yield %parallel_loop3A_226, %parallel_loop3A_228, %parallel_loop3A_230, %parallel_loop3A_232, %parallel_loop3A_234, %parallel_loop3A_236, %parallel_loop3A_238, %parallel_loop3A_240, %parallel_loop3A_242, %parallel_loop3A_244 : vector<16xf32>, vector<16xf32>, vector<16xf32>, vector<16xf32>, vector<16xf32>, vector<16xf32>, vector<16xf32>, vector<16xf32>, vector<16xf32>, vector<16xf32>
        } {sc.loop_unroll_factor = 4 : i64, sc.parallel_access}
        %parallel_loop3A_192 = arith.constant 0 : i32
        %parallel_loop3A_193 = arith.constant 100 : i32
        %parallel_loop3A_194 = arith.constant 1 : i32
        %parallel_loop3A_195:2 = scf.for %parallel_loop3A_206 = %parallel_loop3A_192 to %parallel_loop3A_193 step %parallel_loop3A_194 iter_args(%parallel_loop3A_207 = %broadcast_in_dim3A_7, %parallel_loop3A_208 = %broadcast_in_dim3A_7) -> (vector<16xf32>, vector<16xf32>)  : i32 {
          %parallel_loop3A_209 = arith.constant 16 : i32
          %parallel_loop3A_210 = arith.muli %parallel_loop3A_206, %parallel_loop3A_209 : i32
          %parallel_loop3A_211 = arith.index_cast %parallel_loop3A_210 : i32 to index
          %parallel_loop3A_212 = tpu.vector_load %arg9[%parallel_loop3A_211] {strides = array<i32>} : memref<1600xf32, #tpu.memory_space<vmem>>, vector<16xf32>,
          %parallel_loop3A_213 = arith.cmpf oge, %parallel_loop3A_212, %parallel_loop3A_191#9 : vector<16xf32>
          %parallel_loop3A_214 = arith.subf %parallel_loop3A_212, %parallel_loop3A_191#0 : vector<16xf32>
          %parallel_loop3A_215 = math.exp %parallel_loop3A_214 : vector<16xf32>
          %parallel_loop3A_216 = arith.constant 0.000000e+00 : f32
          %parallel_loop3A_217 = vector.broadcast %parallel_loop3A_216 : f32 to vector<16xf32>
          %parallel_loop3A_218 = arith.select %parallel_loop3A_213, %parallel_loop3A_215, %parallel_loop3A_217 : vector<16xi1>, vector<16xf32>
          %parallel_loop3A_219 = arith.constant 16 : i32
          %parallel_loop3A_220 = arith.muli %parallel_loop3A_206, %parallel_loop3A_219 : i32
          %parallel_loop3A_221 = arith.index_cast %parallel_loop3A_220 : i32 to index
          %parallel_loop3A_222 = tpu.vector_load %arg10[%parallel_loop3A_221] {strides = array<i32>} : memref<1600xi32, #tpu.memory_space<vmem>>, vector<16xi32>,
          %parallel_loop3A_223 = tpu.vector_load_idx %arg11[%broadcast_in_dim3A_113, %parallel_loop3A_222] : memref<2x100xf32, #tpu.memory_space<vmem>>[vector<16xi32>, vector<16xi32>], vector<16xf32>,
          %parallel_loop3A_224 = arith.mulf %parallel_loop3A_218, %parallel_loop3A_223 : vector<16xf32>
          %parallel_loop3A_225 = arith.constant 16 : i32
          %parallel_loop3A_226 = arith.muli %parallel_loop3A_206, %parallel_loop3A_225 : i32
          %parallel_loop3A_227 = arith.index_cast %parallel_loop3A_226 : i32 to index
          %parallel_loop3A_228 = tpu.vector_load %arg9[%parallel_loop3A_227] {strides = array<i32>} : memref<1600xf32, #tpu.memory_space<vmem>>, vector<16xf32>,
          tpu.vector_store %arg9[%parallel_loop3A_227], %parallel_loop3A_224 {strides = array<i32>} : memref<1600xf32, #tpu.memory_space<vmem>>, vector<16xf32>,
          %parallel_loop3A_229 = arith.addf %parallel_loop3A_207, %parallel_loop3A_218 : vector<16xf32>
          %parallel_loop3A_230 = arith.addf %parallel_loop3A_208, %parallel_loop3A_224 : vector<16xf32>
          scf.yield %parallel_loop3A_229, %parallel_loop3A_230 : vector<16xf32>, vector<16xf32>
        } {sc.loop_unroll_factor = 4 : i64, sc.parallel_access}
        %mul3A_196 = arith.constant 9.99999993E-9 : f32
        %mul3A_197 = vector.broadcast %mul3A_196 : f32 to vector<16xf32>
        %mul3A_198 = arith.mulf %mul3A_197, %parallel_loop3A_195#0 : vector<16xf32>
        %add3A_199 = arith.addf %parallel_loop3A_195#1, %mul3A_198 : vector<16xf32>
        %div3A_200 = arith.constant 1.000000e+00 : f32
        %div3A_201 = vector.broadcast %div3A_200 : f32 to vector<16xf32>
        %div3A_202 = arith.divf %div3A_201, %add3A_199 : vector<16xf32>
        %parallel_loop3A_203 = arith.constant 0 : i32
        %parallel_loop3A_204 = arith.constant 100 : i32
        %parallel_loop3A_205 = arith.constant 1 : i32
        scf.for %parallel_loop3A_206 = %parallel_loop3A_203 to %parallel_loop3A_204 step %parallel_loop3A_205  : i32 {
          %parallel_loop3A_207 = arith.constant 16 : i32
          %parallel_loop3A_208 = arith.muli %parallel_loop3A_206, %parallel_loop3A_207 : i32
          %parallel_loop3A_209 = arith.index_cast %parallel_loop3A_208 : i32 to index
          %parallel_loop3A_210 = tpu.vector_load %arg9[%parallel_loop3A_209] {strides = array<i32>} : memref<1600xf32, #tpu.memory_space<vmem>>, vector<16xf32>,
          %parallel_loop3A_211 = arith.constant 16 : i32
          %parallel_loop3A_212 = arith.muli %parallel_loop3A_206, %parallel_loop3A_211 : i32
          %parallel_loop3A_213 = arith.index_cast %parallel_loop3A_212 : i32 to index
          %parallel_loop3A_214 = tpu.vector_load %arg10[%parallel_loop3A_213] {strides = array<i32>} : memref<1600xi32, #tpu.memory_space<vmem>>, vector<16xi32>,
          %parallel_loop3A_215 = arith.mulf %parallel_loop3A_210, %div3A_202 : vector<16xf32>
          tpu.vector_store_idx %arg7[%add3A_187, %parallel_loop3A_214], %parallel_loop3A_215 : memref<128x100xf32, #tpu.memory_space<vmem>>[vector<16xi32>, vector<16xi32>], vector<16xf32>,
        } {sc.loop_unroll_factor = 4 : i64, sc.parallel_access}
      }
      %scan3A_119 = arith.constant 8 : i32
      %mul3A_120 = arith.constant 128 : i32
      %mul3A_121 = arith.muli %mul3A_75, %mul3A_120 : i32
      %add3A_122 = arith.addi %mul3A_2, %mul3A_121 : i32
      %dma_start3A_123 = arith.constant 0 : i32
      %dma_start3A_124 = tpu.memref_slice %arg4[%add3A_122, %dma_start3A_123] : memref<131072x100xf32, #tpu.memory_space<hbm>> -> memref<128x100xf32, #tpu.memory_space<hbm>>
      %dma_start3A_125 = arith.constant 0 : i32
      %dma_start3A_126 = tpu.memref_slice %arg4[%add3A_122, %dma_start3A_125] : memref<131072x100xf32, #tpu.memory_space<hbm>> -> memref<128x100xf32, #tpu.memory_space<hbm>>
      tpu.enqueue_dma source(%arg7 : memref<128x100xf32, #tpu.memory_space<vmem>>) target(%dma_start3A_126 : memref<128x100xf32, #tpu.memory_space<hbm>>) target_semaphore(%arg14 : memref<!tpu.dma_semaphore, #tpu.memory_space<semaphore_mem>>)
      %mul3A_127 = arith.constant 128 : i32
      %mul3A_128 = arith.muli %add3A_77, %mul3A_127 : i32
      %add3A_129 = arith.addi %mul3A_2, %mul3A_128 : i32
      %dma_wait3A_130 = arith.constant 0 : i32
      %dma_wait3A_131 = tpu.memref_slice %arg2[%add3A_129, %dma_wait3A_130] : memref<131072x100xf32, #tpu.memory_space<hbm>> -> memref<128x100xf32, #tpu.memory_space<hbm>>
      %dma_wait3A_132 = arith.constant 0 : i32
      %dma_wait3A_133 = tpu.memref_slice %arg2[%add3A_129, %dma_wait3A_132] : memref<131072x100xf32, #tpu.memory_space<hbm>> -> memref<128x100xf32, #tpu.memory_space<hbm>>
      tpu.wait_dma2 semaphore(%arg13 : memref<!tpu.dma_semaphore, #tpu.memory_space<semaphore_mem>>) src(%dma_wait3A_133 : memref<128x100xf32, #tpu.memory_space<hbm>>) dst(%arg6 : memref<128x100xf32, #tpu.memory_space<vmem>>)
      %lt3A = arith.constant 15 : i32
      %lt3A_134 = arith.cmpi slt, %scan3A_73, %lt3A : i32
      %convert_element_type3A_135 = arith.extui %lt3A_134 : i1 to i32
      %cond3A_136 = arith.constant 0 : i32
      %cond3A_137 = arith.cmpi ne, %convert_element_type3A_135, %cond3A_136 : i32
      scf.if %cond3A_137 {
        %add3A_183 = arith.constant 1 : i32
        %add3A_184 = arith.addi %add3A_77, %add3A_183 : i32
        %mul3A_185 = arith.constant 128 : i32
        %mul3A_186 = arith.muli %add3A_184, %mul3A_185 : i32
        %add3A_187 = arith.addi %mul3A_2, %mul3A_186 : i32
        %dma_start3A_188 = arith.constant 0 : i32
        %dma_start3A_189 = tpu.memref_slice %arg2[%add3A_187, %dma_start3A_188] : memref<131072x100xf32, #tpu.memory_space<hbm>> -> memref<128x100xf32, #tpu.memory_space<hbm>>
        %dma_start3A_190 = arith.constant 0 : i32
        %dma_start3A_191 = tpu.memref_slice %arg2[%add3A_187, %dma_start3A_190] : memref<131072x100xf32, #tpu.memory_space<hbm>> -> memref<128x100xf32, #tpu.memory_space<hbm>>
        tpu.enqueue_dma source(%dma_start3A_191 : memref<128x100xf32, #tpu.memory_space<hbm>>) target(%arg5 : memref<128x100xf32, #tpu.memory_space<vmem>>) target_semaphore(%arg12 : memref<!tpu.dma_semaphore, #tpu.memory_space<semaphore_mem>>)
      } else {
      }
      %gt3A_138 = arith.constant 0 : i32
      %gt3A_139 = arith.cmpi sgt, %scan3A_73, %gt3A_138 : i32
      %convert_element_type3A_140 = arith.extui %gt3A_139 : i1 to i32
      %cond3A_141 = arith.constant 0 : i32
      %cond3A_142 = arith.cmpi ne, %convert_element_type3A_140, %cond3A_141 : i32
      scf.if %cond3A_142 {
        %sub3A_183 = arith.constant 2 : i32
        %sub3A_184 = arith.subi %add3A_77, %sub3A_183 : i32
        %mul3A_185 = arith.constant 128 : i32
        %mul3A_186 = arith.muli %sub3A_184, %mul3A_185 : i32
        %add3A_187 = arith.addi %mul3A_2, %mul3A_186 : i32
        %dma_wait3A_188 = arith.constant 0 : i32
        %dma_wait3A_189 = tpu.memref_slice %arg4[%add3A_187, %dma_wait3A_188] : memref<131072x100xf32, #tpu.memory_space<hbm>> -> memref<128x100xf32, #tpu.memory_space<hbm>>
        %dma_wait3A_190 = arith.constant 0 : i32
        %dma_wait3A_191 = tpu.memref_slice %arg4[%add3A_187, %dma_wait3A_190] : memref<131072x100xf32, #tpu.memory_space<hbm>> -> memref<128x100xf32, #tpu.memory_space<hbm>>
        tpu.wait_dma2 semaphore(%arg15 : memref<!tpu.dma_semaphore, #tpu.memory_space<semaphore_mem>>) src(%arg8 : memref<128x100xf32, #tpu.memory_space<vmem>>) dst(%dma_wait3A_191 : memref<128x100xf32, #tpu.memory_space<hbm>>)
      } else {
      }
      %jit3A_143 = arith.constant 16 : i32
      %div3A_144 = arith.divsi %add3A_77, %jit3A_143 : i32
      %sign3A_145 = arith.constant 0 : i32
      %sign3A_146 = arith.cmpi sgt, %add3A_77, %sign3A_145 : i32
      %sign3A_147 = arith.extui %sign3A_146 : i1 to i32
      %sign3A_148 = arith.constant 0 : i32
      %sign3A_149 = arith.cmpi slt, %add3A_77, %sign3A_148 : i32
      %sign3A_150 = arith.extui %sign3A_149 : i1 to i32
      %sign3A_151 = arith.subi %sign3A_147, %sign3A_150 : i32
      %sign3A_152 = arith.constant 0 : i32
      %sign3A_153 = arith.cmpi sgt, %jit3A_143, %sign3A_152 : i32
      %sign3A_154 = arith.extui %sign3A_153 : i1 to i32
      %sign3A_155 = arith.constant 0 : i32
      %sign3A_156 = arith.cmpi slt, %jit3A_143, %sign3A_155 : i32
      %sign3A_157 = arith.extui %sign3A_156 : i1 to i32
      %sign3A_158 = arith.subi %sign3A_154, %sign3A_157 : i32
      %ne3A_159 = arith.cmpi ne, %sign3A_151, %sign3A_158 : i32
      %rem3A_160 = arith.remsi %add3A_77, %jit3A_143 : i32
      %ne3A_161 = arith.constant 0 : i32
      %ne3A_162 = arith.cmpi ne, %rem3A_160, %ne3A_161 : i32
      %and3A_163 = arith.andi %ne3A_159, %ne3A_162 : i1
      %sub3A_164 = arith.constant 1 : i32
      %sub3A_165 = arith.subi %div3A_144, %sub3A_164 : i32
      %select_n3A_166 = arith.select %and3A_163, %sub3A_165, %div3A_144 : i32
      %and3A_167 = arith.constant 7 : i32
      %and3A_168 = arith.andi %select_n3A_166, %and3A_167 : i32
      %broadcast_in_dim3A_169 = vector.broadcast %and3A_168 : i32 to vector<16xi32>
      %scan3A_170 = arith.constant 0 : i32
      %scan3A_171 = arith.constant 0 : i32
      %scan3A_172 = arith.constant 8 : i32
      %scan3A_173 = arith.addi %scan3A_171, %scan3A_172 : i32
      %scan3A_174 = arith.constant 1 : i32
      scf.for %scan3A_183 = %scan3A_171 to %scan3A_173 step %scan3A_174  : i32 {
        %mul3A_184 = arith.constant 16 : i32
        %mul3A_185 = arith.muli %scan3A_183, %mul3A_184 : i32
        %add3A_186 = vector.broadcast %mul3A_185 : i32 to vector<16xi32>
        %add3A_187 = arith.addi %add3A_186, %iota3A : vector<16xi32>
        %parallel_loop3A_188 = arith.constant 0 : i32
        %parallel_loop3A_189 = arith.constant 100 : i32
        %parallel_loop3A_190 = arith.constant 1 : i32
        %parallel_loop3A_191:10 = scf.for %parallel_loop3A_206 = %parallel_loop3A_188 to %parallel_loop3A_189 step %parallel_loop3A_190 iter_args(%parallel_loop3A_207 = %broadcast_in_dim3A_5, %parallel_loop3A_208 = %broadcast_in_dim3A_5, %parallel_loop3A_209 = %broadcast_in_dim3A_5, %parallel_loop3A_210 = %broadcast_in_dim3A_5, %parallel_loop3A_211 = %broadcast_in_dim3A_5, %parallel_loop3A_212 = %broadcast_in_dim3A_5, %parallel_loop3A_213 = %broadcast_in_dim3A_5, %parallel_loop3A_214 = %broadcast_in_dim3A_5, %parallel_loop3A_215 = %broadcast_in_dim3A_5, %parallel_loop3A_216 = %broadcast_in_dim3A_5) -> (vector<16xf32>, vector<16xf32>, vector<16xf32>, vector<16xf32>, vector<16xf32>, vector<16xf32>, vector<16xf32>, vector<16xf32>, vector<16xf32>, vector<16xf32>)  : i32 {
          %parallel_loop3A_217 = arith.constant 16 : i32
          %parallel_loop3A_218 = arith.muli %parallel_loop3A_206, %parallel_loop3A_217 : i32
          %parallel_loop3A_219 = arith.index_cast %parallel_loop3A_218 : i32 to index
          %parallel_loop3A_220 = tpu.vector_load %arg10[%parallel_loop3A_219] {strides = array<i32>} : memref<1600xi32, #tpu.memory_space<vmem>>, vector<16xi32>,
          %parallel_loop3A_221 = tpu.vector_load_idx %arg6[%add3A_187, %parallel_loop3A_220] : memref<128x100xf32, #tpu.memory_space<vmem>>[vector<16xi32>, vector<16xi32>], vector<16xf32>,
          %parallel_loop3A_222 = arith.constant 16 : i32
          %parallel_loop3A_223 = arith.muli %parallel_loop3A_206, %parallel_loop3A_222 : i32
          %parallel_loop3A_224 = arith.index_cast %parallel_loop3A_223 : i32 to index
          %parallel_loop3A_225 = tpu.vector_load %arg9[%parallel_loop3A_224] {strides = array<i32>} : memref<1600xf32, #tpu.memory_space<vmem>>, vector<16xf32>,
          tpu.vector_store %arg9[%parallel_loop3A_224], %parallel_loop3A_221 {strides = array<i32>} : memref<1600xf32, #tpu.memory_space<vmem>>, vector<16xf32>,
          %parallel_loop3A_226 = arith.maximumf %parallel_loop3A_221, %parallel_loop3A_207 : vector<16xf32>
          %parallel_loop3A_227 = arith.minimumf %parallel_loop3A_221, %parallel_loop3A_207 : vector<16xf32>
          %parallel_loop3A_228 = arith.maximumf %parallel_loop3A_227, %parallel_loop3A_208 : vector<16xf32>
          %parallel_loop3A_229 = arith.minimumf %parallel_loop3A_221, %parallel_loop3A_208 : vector<16xf32>
          %parallel_loop3A_230 = arith.maximumf %parallel_loop3A_229, %parallel_loop3A_209 : vector<16xf32>
          %parallel_loop3A_231 = arith.minimumf %parallel_loop3A_221, %parallel_loop3A_209 : vector<16xf32>
          %parallel_loop3A_232 = arith.maximumf %parallel_loop3A_231, %parallel_loop3A_210 : vector<16xf32>
          %parallel_loop3A_233 = arith.minimumf %parallel_loop3A_221, %parallel_loop3A_210 : vector<16xf32>
          %parallel_loop3A_234 = arith.maximumf %parallel_loop3A_233, %parallel_loop3A_211 : vector<16xf32>
          %parallel_loop3A_235 = arith.minimumf %parallel_loop3A_221, %parallel_loop3A_211 : vector<16xf32>
          %parallel_loop3A_236 = arith.maximumf %parallel_loop3A_235, %parallel_loop3A_212 : vector<16xf32>
          %parallel_loop3A_237 = arith.minimumf %parallel_loop3A_221, %parallel_loop3A_212 : vector<16xf32>
          %parallel_loop3A_238 = arith.maximumf %parallel_loop3A_237, %parallel_loop3A_213 : vector<16xf32>
          %parallel_loop3A_239 = arith.minimumf %parallel_loop3A_221, %parallel_loop3A_213 : vector<16xf32>
          %parallel_loop3A_240 = arith.maximumf %parallel_loop3A_239, %parallel_loop3A_214 : vector<16xf32>
          %parallel_loop3A_241 = arith.minimumf %parallel_loop3A_221, %parallel_loop3A_214 : vector<16xf32>
          %parallel_loop3A_242 = arith.maximumf %parallel_loop3A_241, %parallel_loop3A_215 : vector<16xf32>
          %parallel_loop3A_243 = arith.minimumf %parallel_loop3A_221, %parallel_loop3A_215 : vector<16xf32>
          %parallel_loop3A_244 = arith.maximumf %parallel_loop3A_243, %parallel_loop3A_216 : vector<16xf32>
          scf.yield %parallel_loop3A_226, %parallel_loop3A_228, %parallel_loop3A_230, %parallel_loop3A_232, %parallel_loop3A_234, %parallel_loop3A_236, %parallel_loop3A_238, %parallel_loop3A_240, %parallel_loop3A_242, %parallel_loop3A_244 : vector<16xf32>, vector<16xf32>, vector<16xf32>, vector<16xf32>, vector<16xf32>, vector<16xf32>, vector<16xf32>, vector<16xf32>, vector<16xf32>, vector<16xf32>
        } {sc.loop_unroll_factor = 4 : i64, sc.parallel_access}
        %parallel_loop3A_192 = arith.constant 0 : i32
        %parallel_loop3A_193 = arith.constant 100 : i32
        %parallel_loop3A_194 = arith.constant 1 : i32
        %parallel_loop3A_195:2 = scf.for %parallel_loop3A_206 = %parallel_loop3A_192 to %parallel_loop3A_193 step %parallel_loop3A_194 iter_args(%parallel_loop3A_207 = %broadcast_in_dim3A_7, %parallel_loop3A_208 = %broadcast_in_dim3A_7) -> (vector<16xf32>, vector<16xf32>)  : i32 {
          %parallel_loop3A_209 = arith.constant 16 : i32
          %parallel_loop3A_210 = arith.muli %parallel_loop3A_206, %parallel_loop3A_209 : i32
          %parallel_loop3A_211 = arith.index_cast %parallel_loop3A_210 : i32 to index
          %parallel_loop3A_212 = tpu.vector_load %arg9[%parallel_loop3A_211] {strides = array<i32>} : memref<1600xf32, #tpu.memory_space<vmem>>, vector<16xf32>,
          %parallel_loop3A_213 = arith.cmpf oge, %parallel_loop3A_212, %parallel_loop3A_191#9 : vector<16xf32>
          %parallel_loop3A_214 = arith.subf %parallel_loop3A_212, %parallel_loop3A_191#0 : vector<16xf32>
          %parallel_loop3A_215 = math.exp %parallel_loop3A_214 : vector<16xf32>
          %parallel_loop3A_216 = arith.constant 0.000000e+00 : f32
          %parallel_loop3A_217 = vector.broadcast %parallel_loop3A_216 : f32 to vector<16xf32>
          %parallel_loop3A_218 = arith.select %parallel_loop3A_213, %parallel_loop3A_215, %parallel_loop3A_217 : vector<16xi1>, vector<16xf32>
          %parallel_loop3A_219 = arith.constant 16 : i32
          %parallel_loop3A_220 = arith.muli %parallel_loop3A_206, %parallel_loop3A_219 : i32
          %parallel_loop3A_221 = arith.index_cast %parallel_loop3A_220 : i32 to index
          %parallel_loop3A_222 = tpu.vector_load %arg10[%parallel_loop3A_221] {strides = array<i32>} : memref<1600xi32, #tpu.memory_space<vmem>>, vector<16xi32>,
          %parallel_loop3A_223 = tpu.vector_load_idx %arg11[%broadcast_in_dim3A_169, %parallel_loop3A_222] : memref<2x100xf32, #tpu.memory_space<vmem>>[vector<16xi32>, vector<16xi32>], vector<16xf32>,
          %parallel_loop3A_224 = arith.mulf %parallel_loop3A_218, %parallel_loop3A_223 : vector<16xf32>
          %parallel_loop3A_225 = arith.constant 16 : i32
          %parallel_loop3A_226 = arith.muli %parallel_loop3A_206, %parallel_loop3A_225 : i32
          %parallel_loop3A_227 = arith.index_cast %parallel_loop3A_226 : i32 to index
          %parallel_loop3A_228 = tpu.vector_load %arg9[%parallel_loop3A_227] {strides = array<i32>} : memref<1600xf32, #tpu.memory_space<vmem>>, vector<16xf32>,
          tpu.vector_store %arg9[%parallel_loop3A_227], %parallel_loop3A_224 {strides = array<i32>} : memref<1600xf32, #tpu.memory_space<vmem>>, vector<16xf32>,
          %parallel_loop3A_229 = arith.addf %parallel_loop3A_207, %parallel_loop3A_218 : vector<16xf32>
          %parallel_loop3A_230 = arith.addf %parallel_loop3A_208, %parallel_loop3A_224 : vector<16xf32>
          scf.yield %parallel_loop3A_229, %parallel_loop3A_230 : vector<16xf32>, vector<16xf32>
        } {sc.loop_unroll_factor = 4 : i64, sc.parallel_access}
        %mul3A_196 = arith.constant 9.99999993E-9 : f32
        %mul3A_197 = vector.broadcast %mul3A_196 : f32 to vector<16xf32>
        %mul3A_198 = arith.mulf %mul3A_197, %parallel_loop3A_195#0 : vector<16xf32>
        %add3A_199 = arith.addf %parallel_loop3A_195#1, %mul3A_198 : vector<16xf32>
        %div3A_200 = arith.constant 1.000000e+00 : f32
        %div3A_201 = vector.broadcast %div3A_200 : f32 to vector<16xf32>
        %div3A_202 = arith.divf %div3A_201, %add3A_199 : vector<16xf32>
        %parallel_loop3A_203 = arith.constant 0 : i32
        %parallel_loop3A_204 = arith.constant 100 : i32
        %parallel_loop3A_205 = arith.constant 1 : i32
        scf.for %parallel_loop3A_206 = %parallel_loop3A_203 to %parallel_loop3A_204 step %parallel_loop3A_205  : i32 {
          %parallel_loop3A_207 = arith.constant 16 : i32
          %parallel_loop3A_208 = arith.muli %parallel_loop3A_206, %parallel_loop3A_207 : i32
          %parallel_loop3A_209 = arith.index_cast %parallel_loop3A_208 : i32 to index
          %parallel_loop3A_210 = tpu.vector_load %arg9[%parallel_loop3A_209] {strides = array<i32>} : memref<1600xf32, #tpu.memory_space<vmem>>, vector<16xf32>,
          %parallel_loop3A_211 = arith.constant 16 : i32
          %parallel_loop3A_212 = arith.muli %parallel_loop3A_206, %parallel_loop3A_211 : i32
          %parallel_loop3A_213 = arith.index_cast %parallel_loop3A_212 : i32 to index
          %parallel_loop3A_214 = tpu.vector_load %arg10[%parallel_loop3A_213] {strides = array<i32>} : memref<1600xi32, #tpu.memory_space<vmem>>, vector<16xi32>,
          %parallel_loop3A_215 = arith.mulf %parallel_loop3A_210, %div3A_202 : vector<16xf32>
          tpu.vector_store_idx %arg8[%add3A_187, %parallel_loop3A_214], %parallel_loop3A_215 : memref<128x100xf32, #tpu.memory_space<vmem>>[vector<16xi32>, vector<16xi32>], vector<16xf32>,
        } {sc.loop_unroll_factor = 4 : i64, sc.parallel_access}
      }
      %scan3A_175 = arith.constant 8 : i32
      %mul3A_176 = arith.constant 128 : i32
      %mul3A_177 = arith.muli %add3A_77, %mul3A_176 : i32
      %add3A_178 = arith.addi %mul3A_2, %mul3A_177 : i32
      %dma_start3A_179 = arith.constant 0 : i32
      %dma_start3A_180 = tpu.memref_slice %arg4[%add3A_178, %dma_start3A_179] : memref<131072x100xf32, #tpu.memory_space<hbm>> -> memref<128x100xf32, #tpu.memory_space<hbm>>
      %dma_start3A_181 = arith.constant 0 : i32
      %dma_start3A_182 = tpu.memref_slice %arg4[%add3A_178, %dma_start3A_181] : memref<131072x100xf32, #tpu.memory_space<hbm>> -> memref<128x100xf32, #tpu.memory_space<hbm>>
      tpu.enqueue_dma source(%arg8 : memref<128x100xf32, #tpu.memory_space<vmem>>) target(%dma_start3A_182 : memref<128x100xf32, #tpu.memory_space<hbm>>) target_semaphore(%arg15 : memref<!tpu.dma_semaphore, #tpu.memory_space<semaphore_mem>>)
    }
    %scan3A_61 = arith.constant 16 : i32
    %add3A_62 = arith.constant 3840 : i32
    %add3A_63 = arith.addi %mul3A_2, %add3A_62 : i32
    %dma_wait3A = arith.constant 0 : i32
    %dma_wait3A_64 = tpu.memref_slice %arg4[%add3A_63, %dma_wait3A] : memref<131072x100xf32, #tpu.memory_space<hbm>> -> memref<128x100xf32, #tpu.memory_space<hbm>>
    %dma_wait3A_65 = arith.constant 0 : i32
    %dma_wait3A_66 = tpu.memref_slice %arg4[%add3A_63, %dma_wait3A_65] : memref<131072x100xf32, #tpu.memory_space<hbm>> -> memref<128x100xf32, #tpu.memory_space<hbm>>
    tpu.wait_dma2 semaphore(%arg14 : memref<!tpu.dma_semaphore, #tpu.memory_space<semaphore_mem>>) src(%arg7 : memref<128x100xf32, #tpu.memory_space<vmem>>) dst(%dma_wait3A_66 : memref<128x100xf32, #tpu.memory_space<hbm>>)
    %add3A_67 = arith.constant 3968 : i32
    %add3A_68 = arith.addi %mul3A_2, %add3A_67 : i32
    %dma_wait3A_69 = arith.constant 0 : i32
    %dma_wait3A_70 = tpu.memref_slice %arg4[%add3A_68, %dma_wait3A_69] : memref<131072x100xf32, #tpu.memory_space<hbm>> -> memref<128x100xf32, #tpu.memory_space<hbm>>
    %dma_wait3A_71 = arith.constant 0 : i32
    %dma_wait3A_72 = tpu.memref_slice %arg4[%add3A_68, %dma_wait3A_71] : memref<131072x100xf32, #tpu.memory_space<hbm>> -> memref<128x100xf32, #tpu.memory_space<hbm>>
    tpu.wait_dma2 semaphore(%arg15 : memref<!tpu.dma_semaphore, #tpu.memory_space<semaphore_mem>>) src(%arg8 : memref<128x100xf32, #tpu.memory_space<vmem>>) dst(%dma_wait3A_72 : memref<128x100xf32, #tpu.memory_space<hbm>>)
    return
  }
}

</mosaic_0001>

<sc_bundles>
// kernel: kernel.3.cloned.1.call-start
scs
__scs_entry_jumppad:
0x0: {  	(pc) =	sbr.rel $0x88, $3  }
0x1: {  	(tag) =	ssettag $0x0;
	lr =	simm.s32 $0x1  }
0x2: {  	[smem:$0x3F9F] =	sst lr;
	_ =	strace $0xD0000000  }
0x3: {  	_ = 	snop  }
0x4: {  	_ = 	snop  }
0x5: {  	_ = 	snop  }
0x6: {  	_ = 	snop  }
0x7: {  	_ = 	snop  }
__scs_overlays_trampoline_lowered:
0x8: {  	[smem:$0x3FAE] =	sst s0  }
0x9: {  	[smem:$0x3FAF] =	sst s1  }
0xa: {  	[smem:$0x3FB0] =	sst s2  }
0xb: {  	[smem:$0x3FB1] =	sst s3  }
0xc: {  	[smem:$0x3FB2] =	sst s4  }
0xd: {  	[smem:$0x3FB3] =	sst s5  }
0xe: {  	[smem:$0x3FB4] =	sst s6  }
0xf: {  	[smem:$0x3FB5] =	sst s7  }
0x10: {  	[smem:$0x3FB6] =	sst s8  }
0x11: {  	[smem:$0x3FB7] =	sst s9;
	s0 =	simm.s32 @!p0 $0x0  }
0x12: {  	s1 =	sld [smem:$0x3F9D];
	s0 =	simm.s32 @p0 $0x1  }
0x13: {  	[smem:$0x3FB8] =	sst s0;
	s0 =	simm.s32 @!p1 $0x0  }
0x14: {  	s2 =	sld [smem:$0x3F9C];
	s0 =	simm.s32 @p1 $0x1  }
0x15: {  	[smem:$0x3FB9] =	sst s0;
	s0 =	simm.s32 @!p2 $0x0  }
0x16: {  	s3 =	sld [smem:$0x3FDB];
	s0 =	simm.s32 @p2 $0x1  }
0x17: {  	s4 =	simm.s32 $0x1BF5;
	[smem:$0x3FBB] =	sst s0  }
0x18: {  	s0 =	sld [smem:$0x3F9E];
	_ =	swait.ge [sflag:s4], $0x0  }
0x19: {  	s7 =	sld [smem:$0x3F9F]  }
0x1a: {  	s8 =	sadd.s32 $0xFFFFE003, lr  }
0x1b: {  	s9 =	sadd.s32 $0xFFFFFEF7, lr;
	s5 =	simm.s32 $0xFFFFFFFF;
	p2 =	slt.u32 s8, $0xFFFFF086  }
0x1c: {  	p1 =	slt.u32 s9, $0xF7A;
	s5 =	simm.s32 @!p2 $0x0  }
0x1d: {  	s5 =	simm.s32 @p1 $0x1;
	p0 =	seq.s32 s7, s2  }
0x1e: {  	s7 =	smul.u32 @!p0 $0xF7A, s2;
	p2 =	seq.s32 @!p0 s5, $0x0  }
0x1f: {  	s9 =	smul.u32 $0xF7A, s1;
	s8 =	simm.s32 @!p0 $0x1BF5;
	p2 =	por !p2, p0  }
0x20: {  	[sflag:s8] =	ssyncset.s32 @!p0 $0xFFFFF086;
	s6 =	sadd.s32 @!p0 s3, s7;
	s7 =	simm.s32 @!p0 $0x108  }
0x21: {  	s3 =	sadd.s32 s3, s9;
	s6 =	sadd.s32 @!p0 $0x88, s6;
	s7 =	simm.s32 @p2 $0x1082  }
0x22: {  	[simem:s7], [sflag:s8] =	dma.local @!p0 [hbm:s6], $0xF7A  }
0x23: {  	s9 =	sor.u32 $0xD0000000, s2;
	s6 =	simm.s32 $0x108;
	_ =	swait.ge @!p0 [sflag:s8], $0x0  }
0x24: {  	s3 =	sadd.s32 $0x88, s3;
	s6 =	simm.s32 @!p1 $0x1082;
	[sflag:s4] =	ssyncset.s32 $0xFFFFF086  }
0x25: {  	[simem:s6], [sflag:s4] =	dma.local [hbm:s3], $0xF7A  }
0x26: {  	[smem:$0x3F9F] =	sst s1;
	(tag) =	ssettag s2;
	_ =	strace s9  }
0x27: {  	s1 =	sld [smem:$0x3FAF]  }
0x28: {  	s2 =	sld [smem:$0x3FB0]  }
0x29: {  	s4 =	sld [smem:$0x3FB2]  }
0x2a: {  	p0 =	seq.s32 s5, $0x0;
	s5 =	sld [smem:$0x3FB3]  }
0x2b: {  	s6 =	sld [smem:$0x3FB4]  }
0x2c: {  	s7 =	sld [smem:$0x3FB5]  }
0x2d: {  	s3 =	simm.s32 $0x108;
	s8 =	sld [smem:$0x3FB6]  }
0x2e: {  	s3 =	simm.s32 @!p0 $0x1082;
	s9 =	sld [smem:$0x3FB7]  }
0x2f: {  	lr =	sadd.s32 s0, s3;
	s0 =	sld [smem:$0x3FAE]  }
0x30: {  	s3 =	sld [smem:$0x3FB1]  }
0x31: {  	[smem:$0x3FBA] =	sst s10  }
0x32: {  	s10 =	sld [smem:$0x3FB8];
	_ =	sdelay $0x3  }
0x33: {  	p0 =	seq.s32 s10, $0x1;
	s10 =	sld [smem:$0x3FBA];
	_ =	sdelay $0x3  }
0x34: {  	[smem:$0x3FBA] =	sst s10  }
0x35: {  	s10 =	sld [smem:$0x3FB9];
	_ =	sdelay $0x3  }
0x36: {  	p1 =	seq.s32 s10, $0x1;
	s10 =	sld [smem:$0x3FBA];
	_ =	sdelay $0x3  }
0x37: {  	[smem:$0x3FBA] =	sst s10  }
0x38: {  	s10 =	sld [smem:$0x3FBB]  }
0x39: {  	_ = 	snop;
	(pc) =	sbr.ind lr, $3  }
0x3a: {  	_ = 	snop  }
0x3b: {  	_ = 	snop  }
0x3c: {  	p2 =	seq.s32 s10, $0x1;
	s10 =	sld [smem:$0x3FBA]  }
0x3d: {  	_ =	shalt  }
0x3e: {  	_ =	shalt  }
0x3f: {  	_ =	shalt  }
0x40: {  	_ =	shalt  }
0x41: {  	_ =	shalt  }
0x42: {  	_ =	shalt  }
0x43: {  	_ =	shalt  }
0x44: {  	_ =	shalt  }
0x45: {  	_ =	shalt  }
0x46: {  	_ =	shalt  }
0x47: {  	_ =	shalt  }
0x48: {  	_ =	shalt  }
0x49: {  	_ =	shalt  }
0x4a: {  	_ =	shalt  }
0x4b: {  	_ =	shalt  }
0x4c: {  	_ =	shalt  }
0x4d: {  	_ =	shalt  }
0x4e: {  	_ =	shalt  }
0x4f: {  	_ =	shalt  }
0x50: {  	_ =	shalt  }
0x51: {  	_ =	shalt  }
0x52: {  	_ =	shalt  }
0x53: {  	_ =	shalt  }
0x54: {  	_ =	shalt  }
0x55: {  	_ =	shalt  }
0x56: {  	_ =	shalt  }
0x57: {  	_ =	shalt  }
0x58: {  	_ =	shalt  }
0x59: {  	_ =	shalt  }
0x5a: {  	_ =	shalt  }
0x5b: {  	_ =	shalt  }
0x5c: {  	_ =	shalt  }
0x5d: {  	_ =	shalt  }
0x5e: {  	_ =	shalt  }
0x5f: {  	_ =	shalt  }
0x60: {  	_ =	shalt  }
0x61: {  	_ =	shalt  }
0x62: {  	_ =	shalt  }
0x63: {  	_ =	shalt  }
0x64: {  	_ =	shalt  }
0x65: {  	_ =	shalt  }
0x66: {  	_ =	shalt  }
0x67: {  	_ =	shalt  }
0x68: {  	_ =	shalt  }
0x69: {  	_ =	shalt  }
0x6a: {  	_ =	shalt  }
0x6b: {  	_ =	shalt  }
0x6c: {  	_ =	shalt  }
0x6d: {  	_ =	shalt  }
0x6e: {  	_ =	shalt  }
0x6f: {  	_ =	shalt  }
0x70: {  	_ =	shalt  }
0x71: {  	_ =	shalt  }
0x72: {  	_ =	shalt  }
0x73: {  	_ =	shalt  }
0x74: {  	_ =	shalt  }
0x75: {  	_ =	shalt  }
0x76: {  	_ =	shalt  }
0x77: {  	_ =	shalt  }
0x78: {  	_ =	shalt  }
0x79: {  	_ =	shalt  }
0x7a: {  	_ =	shalt  }
0x7b: {  	_ =	shalt  }
0x7c: {  	_ =	shalt  }
0x7d: {  	_ =	shalt  }
0x7e: {  	_ =	shalt  }
0x7f: {  	_ =	shalt  }
0x80: {  	_ =	shalt  }
0x81: {  	_ =	shalt  }
0x82: {  	_ =	shalt  }
0x83: {  	_ =	shalt  }
0x84: {  	_ =	shalt  }
0x85: {  	_ =	shalt  }
0x86: {  	_ =	shalt  }
0x87: {  	_ =	shalt  }
.Lfunc_end0:
.L_simem_size_0:
called_computation_lowered:
.L_overlay_start_0:
0x88: {  	s2 =	sld [smem:$0x3FD9]  }
0x89: {  	s3 =	sld [smem:$0x3FFE];
	_ =	sdelay $0x1  }
0x8a: {  	s1 =	srdreg.scid  }
0x8b: {  	s0 =	sand.u32 $0x1, s1  }
0x8c: {  	s18 =	sshll.u32 s0, $0xA;
	s2 =	sadd.s32 s3, s2  }
0x8d: {  	s2 =	sadd.s32 s2, s18  }
0x8e: {  	[smem:$0x3FC6] =	sst s2  }
0x8f: {  	_ = 	snop  }
0x90: {  	s2 =	sld [smem:$0x3FC9]  }
0x91: {  	s19 =	sld [smem:$0x3FC8]  }
0x92: {  	s4 =	sld [smem:$0x3FD0];
	(tm) =	ssettm $0x1  }
0x93: {  	s5 =	sld [smem:$0x3FFB];
	_ =	sdelay $0x3  }
0x94: {  	_ =	strace s5  }
0x95: {  	s5 =	sld [smem:$0x3FFC];
	_ =	sdelay $0x3  }
0x96: {  	_ =	strace s5  }
0x97: {  	s5 =	sld [smem:$0x3FFD];
	_ =	sdelay $0x3  }
0x98: {  	_ =	strace s5  }
0x99: {  	_ =	strace $0x8FFFFFFF  }
0x9a: {  	s20 =	sld [smem:$0x3FDB];
	_ =	sdelay $0x1  }
0x9b: {  	s6 =	simm.s32 $_scs_section_size  }
0x9c: {  	s7 =	simm.s32 $_size__tile_overlayer_lowered;
	s8 =	simm.s32 $_tile_overlayer_lowered  }
0x9d: {  	s23 =	simm.s32 $0x1BFF;
	s22 =	sshll.u32 s8, $0x1;
	s5 =	sadd.s32 s6, s20  }
0x9e: {  	s9 =	simm.s32 $0x0;
	s21 =	sshll.u32 s7, $0x1;
	s7 =	sadd.s32 s22, s5  }
0x9f: {  	[timem:s9], [sflag:s23] =	dma.local [hbm:s7], s21  }
0xa0: {  	_ =	swait.ge [sflag:s23], s21  }
0xa1: {  	s6 =	ssub.s32 $0x0, s21;
	[sflag:s23] =	ssyncset.done $0x0  }
0xa2: {  	[sflag:s23] =	ssyncadd.s32 s6;
	_ =	sdelay $0x1  }
0xa3: {  	s24 =	simm.s32 $0x1B8B  }
0xa4: {  	_ =	swait.ge [sflag:s24], $0x1  }
0xa5: {  	[sflag:s24] =	ssyncset.done $0x0  }
0xa6: {  	s25 =	simm.s32 $0x1B8E;
	[sflag:s24] =	ssyncadd.s32 $0xFFFFFFFF  }
0xa7: {  	s26 =	simm.s32 $execute0_lowered;
	[smem:$0x3FD2] =	sst s25  }
0xa8: {  	s6 =	sshll.u32 s26, $0x1;
	_ =	strace $0x80000046;
	[dreg:$0x1] =	wrdreg $0xFFFFFFFF  }
0xa9: {  	s28 =	simm.s32 $_size_execute0_lowered;
	s5 =	sadd.s32 s5, s6;
	[dreg:$0x0] =	wrdreg $0x0  }
0xaa: {  	s6 =	sshll.u32 s28, $0x1;
	[dreg:$0x2] =	wrdreg s5  }
0xab: {  	[dreg:$0x3] =	wrdreg s6  }
0xac: {  	[dreg:$0x4] =	wrdreg $0xC0  }
0xad: {  	_ =	task [dreg:s9], $0x5FFFF  }
0xae: {  	[dreg:$0x1] =	wrdreg $0xFFFFFFFF  }
0xaf: {  	[dreg:$0x0] =	wrdreg $0x60  }
0xb0: {  	[dreg:$0x2] =	wrdreg s2  }
0xb1: {  	[dreg:$0x3] =	wrdreg s19  }
0xb2: {  	[dreg:$0x4] =	wrdreg s4  }
0xb3: {  	[dreg:$0x5] =	wrdreg $0x9  }
0xb4: {  	_ =	task.clear_ibuf [dreg:s9], $0x6FFFF;
	_ =	strace $0x90000046  }
0xb5: {  	s29 =	simm.s32 $0x9;
	_ =	strace $0x80000048  }
0xb6: {  	_ =	swait.ge [sflag:s29], $0x1  }
0xb7: {  	[sflag:s29] =	ssyncadd.s32 $0xFFFFFFFF  }
0xb8: {  	_ =	strace $0x90000048  }
0xb9: {  	_ =	sfence  }
0xba: {  	s30 =	sld [smem:$0x0];
	_ =	sdelay $0x2  }
0xbb: {  	s31 =	sshll.u32 s1, $0xD;
	s1 =	sshrl.u32 s1, $0x2  }
0xbc: {  	s3 =	sand.u32 $0x4000, s31;
	s1 =	sadd.s32 s1, s30  }
0xbd: {  	s0 =	sor.u32 s3, s0;
	s1 =	sshll.u32 s1, $0x11  }
0xbe: {  	s0 =	sor.u32 s1, s0  }
0xbf: {  	s0 =	sadd.s32 $0x8F2B, s0  }
0xc0: {  	[sflag:s0] =	ssyncadd.remote.s32 $0x1  }
0xc1: {  	_ =	sfence.sel $0xFFFF  }
0xc2: {  	[dreg:$0x0] =	wrdreg $0xFFFFFFFF;
	(pc) =	sbr.abs _section_cstart, $3  }
0xc3: {  	[dreg:$0x1] =	wrdreg $0xFFFFFFFF  }
0xc4: {  	_ =	task.clear_ibuf [dreg:s9], $0x2FFFF;
	_ =	strace $0x9FFFFFFF  }
0xc5: {  	(tm) =	ssettm $0x7FFFFFFF  }
tec
execute0_lowered:
.L_overlay_start_1:
0x0: {  	(tag) =	ssettag $0x1  }
0x1: {  	s1 =	rddreg [dreg:$0x0]  }
0x2: {  	s6 =	rddreg [dreg:$0x1]  }
0x3: {  	s3 =	rddreg [dreg:$0x2]  }
0x4: {  	s0 =	rddreg [dreg:$0x3]  }
0x5: {  	s4 =	simm.s32 $0x0;
	s5 =	srdreg.scid;
	s2 =	stileid.u32  }
0x6: {  	s10 =	simm.s32 $0x10D00;
	s11 =	simm.s32 $0x5;
	s12 =	simm.s32 $0x1  }
0x7: {  	s13 =	simm.s32 $0x4000;
	s14 =	simm.s32 $0x8000;
	s15 =	simm.s32 $0x2  }
0x8: {  	s16 =	simm.s32 $0xC000;
	s17 =	simm.s32 $0x3;
	s18 =	simm.s32 $0x4  }
0x9: {  	s19 =	simm.s32 $0x0;
	s5 =	sand.u32 $0x1, s5;
	s7 =	sshll.u32 s2, $0x1  }
0xa: {  	v0 =	vlaneseq.u32;
	[smem:$0x7FF] =	sst s4;
	s8 =	ssub.s32 $0x2, s5;
	s7 =	sor.u32 s5, s7  }
0xb: {  	v2 =	vimm.s32 $0x60636261;
	v3 =	vimm.s32 $0x61606362;
	v4 =	vimm.s32 $0x62616063;
	s9 =	sshrl.u32 s8, $0x1;
	s5 =	sshll.u32 s7, $0x10;
	s7 =	sshll.u32 s7, $0x5  }
0xc: {  	v1 =	vand.u32 $0x3, v0;
	v2 =	vunpack.c.0.s8.s32 v2;
	v3 =	vunpack.c.0.s8.s32 v3;
	s9 =	ssub.s32 s8, s9;
	s6 =	sadd.s32 s6, s7;
	s7 =	sadd.s32 s1, s5  }
0xd: {  	v4 =	vunpack.c.0.s8.s32 v4;
	v5 =	vmul.u32 $0x80, v0;
	_ =	strace $0x80000047;
	v1 =	vor.u32 $0x60, v1;
	s8 =	sadd.s32 $0x1000, s7;
	s9 =	smax.u32 s9, $0x1  }
.LBB2_1:
0xe: {  	[tilespmem:s10], [sflag:$0x5] =	stream.linear.gather [hbm4b:s6+s4], $0x100, $0x38;
	[tilespmem:$0x10E00] =	vst v63  }
0xf: {  	v6 =	vadd.s32 s4, v0;
	_ =	swait.ge [sflag:s11], $0x100  }
0x10: {  	s21 =	sand.u32 $0x70, s4;
	v6 =	vand.u32 $0xF, v6;
	[sflag:s11] =	ssyncset.done $0x0  }
0x11: {  	s20 =	simm.s32 $0x10680;
	v6 =	vor.u32 s21, v6;
	[sflag:s11] =	ssyncadd.s32 $0xFFFFFF00  }
0x12: {  	s21 =	simm.s32 $0x1;
	[tilespmem:s20+$0x0] =	vst v6  }
.LBB2_2:
0x13: {  	p0 =	sne.s32 s21, $0x5F  }
.Ltmp0:
0x14: {  	_ = 	snop;
	(pc) =	sbr.rel @p0 .LBB2_2-.Ltmp0, $4  }
0x15: {  	v6 =	vadd.s32 s21, v0;
	s22 =	smov.u32 s21  }
0x16: {  	s22 =	sand.u32 $0x70, s22;
	v6 =	vand.u32 $0xF, v6  }
0x17: {  	s20 =	sadd.s32 $0x10, s20;
	v6 =	vor.u32 s22, v6  }
0x18: {  	s21 =	sadd.s32 $0x1, s21;
	[tilespmem:s20+$0x0] =	vst v6  }
0x19: {  	[tilespmem:$0x10C80] =	vst v1  }
0x1a: {  	[tilespmem:$0x10C90] =	vst v2  }
0x1b: {  	[tilespmem:$0x10CA0] =	vst v3  }
0x1c: {  	[tilespmem:$0x10CB0] =	vst v4;
	s20 =	simm.s32 $0x0  }
0x1d: {  	[tilespmem:s20], [sflag:$0x1] =	stream.linear.gather [hbm4b:s7+s20], $0x4000, $0x38;
	[tilespmem:$0x10E00] =	vst v63  }
.LBB2_4:
0x1e: {  	s22 =	sshll.u32 s20, $0xC  }
0x1f: {  	_ =	swait.ge [sflag:s12], $0x4000;
	s23 =	sor.u32 s5, s22  }
0x20: {  	[sflag:s12] =	ssyncset.done $0x0;
	s21 =	sor.u32 $0x800, s23  }
0x21: {  	p0 =	seq.s32 s20, $0x0;
	[sflag:s12] =	ssyncadd.s32 $0xFFFFC000;
	s24 =	sadd.s32 s1, s21  }
0x22: {  	[tilespmem:s13], [sflag:$0x2] =	stream.linear.gather [hbm4b:s24+s4], $0x4000, $0x38;
	[tilespmem:$0x10E00] =	vst v63  }
0x23: {  	s24 =	simm.s32 @!p0 $0x3  }
0x24: {  	s25 =	sshll.u32 s20, $0x4;
	_ =	swait.ge @!p0 [sflag:s24], $0x4000  }
0x25: {  	s25 =	sand.u32 $0xFFFFFF80, s25;
	[sflag:s24] =	ssyncset.done @!p0 $0x0  }
0x26: {  	v6 =	vmov s25;
	[sflag:s24] =	ssyncadd.s32 @!p0 $0xFFFFC000;
	s24 =	simm.s32 $0x0  }
.LBB2_5:
0x27: {  	s26 =	simm.s32 $0x106A0  }
0x28: {  	v8 =	vld [tilespmem:s26+$0xFFFFFFE0];
	_ =	sdelay $0x1  }
0x29: {  	s25 =	sshll.u32 s24, $0x4;
	v9 =	vld [tilespmem:s26+$0xFFFFFFF0]  }
0x2a: {  	v7 =	vmov s25;
	v10 =	vld [tilespmem:s26+$0x0]  }
0x2b: {  	v7 =	vshll.u32 v7, $0x7  }
0x2c: {  	v11 =	vld [tilespmem:s26+$0x10];
	v7 =	vor.u32 v5, v7;
	v12 =	vand.u32 $0xFFFFFF80, v8  }
0x2d: {  	v8 =	vand.u32 $0x7F, v8;
	v12 =	vadd.s32 v7, v12  }
0x2e: {  	v13 =	vand.u32 $0xFFFFFF80, v9;
	v8 =	vor.u32 v8, v12  }
0x2f: {  	v9 =	vand.u32 $0x7F, v9;
	v12 =	vadd.s32 v7, v13;
	v13 =	vand.u32 $0xFFFFFF80, v10  }
0x30: {  	v10 =	vand.u32 $0x7F, v10;
	v9 =	vor.u32 v9, v12;
	v12 =	vadd.s32 v7, v13  }
0x31: {  	v13 =	vand.u32 $0xFFFFFF80, v11;
	v10 =	vor.u32 v10, v12  }
0x32: {  	v11 =	vand.u32 $0x7F, v11;
	v12 =	vadd.s32 v7, v13  }
0x33: {  	v13 =	vor.u32 v11, v12;
	v8 =	vld.idx.msk [tilespmem:v8+s4+$0x0], $0xffff;
	_ =	sdelay $0x1  }
0x34: {  	v12 =	vld.idx.msk [tilespmem:v9+s4+$0x0], $0xffff  }
0x35: {  	v11 =	vld.idx.msk [tilespmem:v10+s4+$0x0], $0xffff  }
0x36: {  	v14 =	vimm.f32 $-Inf  }
0x37: {  	s25 =	simm.s32 $0x10020;
	v10 =	vld.idx.msk [tilespmem:v13+s4+$0x0], $0xffff;
	v13 =	vmin.f32 v8, v14  }
0x38: {  	v15 =	vmax.f32 v8, v14;
	[tilespmem:s25+$0xFFFFFFE0] =	vst v8;
	v16 =	vmax.f32 v13, v14  }
0x39: {  	v13 =	vmin.f32 v12, v15;
	v18 =	vmax.f32 v12, v15;
	[tilespmem:s25+$0xFFFFFFF0] =	vst v12;
	v20 =	vmin.f32 v12, v16  }
0x3a: {  	v24 =	vmin.f32 v12, v16;
	v14 =	vmax.f32 v13, v16;
	v13 =	vmax.f32 v11, v18;
	[tilespmem:s25+$0x0] =	vst v11  }
0x3b: {  	v26 =	vmin.f32 v11, v18;
	v25 =	vmovc v16;
	v17 =	vmax.f32 v24, v16;
	v15 =	vmax.f32 v24, v16  }
0x3c: {  	v9 =	vimm.f32 $0.0e+00;
	v23 =	vmovc v16;
	v8 =	vmax.f32 v10, v13;
	v21 =	vmin.f32 v10, v13;
	[tilespmem:s25+$0x10] =	vst v10;
	v28 =	vmovc v24  }
0x3d: {  	s28 =	simm.s32 $0x0;
	s29 =	simm.s32 $0x106E0;
	s30 =	simm.s32 $0x10020;
	v27 =	vmin.f32 v11, v15;
	v22 =	vmin.f32 v11, v15;
	v18 =	vmovc v16;
	v19 =	vmovc v15;
	v13 =	vmov v15  }
.LBB2_6:
0x3e: {  	v29 =	vld [tilespmem:s29+$0xFFFFFFE0];
	s28 =	sadd.s32 $0x4, s28;
	v16 =	vmax.f32 v20, v16;
	v20 =	vmax.f32 v24, v25;
	v12 =	vmin.f32 v12, v25;
	s30 =	sadd.s32 $0x40, s30  }
0x3f: {  	v30 =	vmin.f32 v11, v17;
	v24 =	vld [tilespmem:s29+$0x0];
	p0 =	slt.u32 s28, $0x60;
	v25 =	vmin.f32 v11, v16;
	v31 =	vmin.f32 v11, v20  }
0x40: {  	v12 =	vmax.f32 v12, v18;
	v18 =	vmax.f32 v28, v23;
	v20 =	vmax.f32 v30, v20;
	v32 =	vld [tilespmem:s29+$0xFFFFFFF0]  }
0x41: {  	v17 =	vmax.f32 v25, v17;
	v23 =	vmax.f32 v31, v12;
	v12 =	vmin.f32 v11, v12  }
0x42: {  	v16 =	vmax.f32 v27, v16;
	v25 =	vmax.f32 v26, v14;
	v26 =	vmin.f32 v10, v23  }
0x43: {  	v15 =	vmax.f32 v22, v15;
	v27 =	vand.u32 $0xFFFFFF80, v29;
	v28 =	vand.u32 $0x7F, v29  }
0x44: {  	v21 =	vmax.f32 v21, v25;
	v22 =	vadd.s32 v7, v27;
	v27 =	vand.u32 $0xFFFFFF80, v24;
	v29 =	vld [tilespmem:s29+$0x10]  }
0x45: {  	v30 =	vmin.f32 v10, v17;
	v22 =	vor.u32 v28, v22;
	v28 =	vand.u32 $0x7F, v32  }
0x46: {  	v14 =	vmin.f32 v11, v14;
	v31 =	vand.u32 $0xFFFFFF80, v32;
	v27 =	vadd.s32 v7, v27  }
0x47: {  	v14 =	vmax.f32 v14, v19;
	v24 =	vand.u32 $0x7F, v24;
	v31 =	vadd.s32 v7, v31  }
0x48: {  	v19 =	vor.u32 v28, v31;
	v28 =	vmax.f32 v12, v18;
	v12 =	vmin.f32 v10, v25  }
0x49: {  	v24 =	vor.u32 v24, v27;
	v27 =	vmin.f32 v10, v14;
	v25 =	vand.u32 $0xFFFFFF80, v29  }
0x4a: {  	v14 =	vmax.f32 v12, v14;
	v29 =	vand.u32 $0x7F, v29;
	v22 =	vld.idx.msk [tilespmem:v22+s4+$0x0], $0xffff;
	v25 =	vadd.s32 v7, v25  }
0x4b: {  	v11 =	vmin.f32 v11, v18;
	v12 =	vmin.f32 v10, v16;
	v25 =	vor.u32 v29, v25  }
0x4c: {  	v11 =	vmax.f32 v11, v13;
	v13 =	vmax.f32 v12, v17;
	v17 =	vmin.f32 v10, v28  }
0x4d: {  	v16 =	vmax.f32 v27, v16;
	v17 =	vmax.f32 v17, v11;
	v11 =	vmin.f32 v10, v11;
	v12 =	vld.idx.msk [tilespmem:v19+s4+$0x0], $0xffff  }
0x4e: {  	v10 =	vmin.f32 v10, v20;
	v11 =	vmax.f32 v11, v15;
	v19 =	vmax.f32 v30, v20  }
0x4f: {  	v15 =	vmax.f32 v10, v23;
	v23 =	vmax.f32 v26, v28  }
0x50: {  	v10 =	vmin.f32 v22, v8;
	v18 =	vmin.f32 v22, v21;
	v20 =	vmin.f32 v22, v17;
	[tilespmem:s30+$0xFFFFFFE0] =	vst v22  }
0x51: {  	v26 =	vmin.f32 v22, v16;
	v27 =	vmin.f32 v22, v13;
	v28 =	vmax.f32 v20, v11  }
0x52: {  	v8 =	vmax.f32 v22, v8;
	v13 =	vmax.f32 v26, v13;
	v20 =	vmin.f32 v22, v23;
	v11 =	vld.idx.msk [tilespmem:v24+s4+$0x0], $0xffff  }
0x53: {  	v21 =	vmax.f32 v10, v21;
	v26 =	vmin.f32 v22, v19;
	v24 =	vmin.f32 v22, v14;
	v10 =	vld.idx.msk [tilespmem:v25+s4+$0x0], $0xffff  }
0x54: {  	v29 =	vmax.f32 v18, v14;
	v18 =	vmax.f32 v26, v15;
	v14 =	vmin.f32 v12, v8;
	[tilespmem:s30+$0xFFFFFFF0] =	vst v12  }
0x55: {  	v15 =	vmin.f32 v22, v15;
	v22 =	vmax.f32 v12, v8;
	v16 =	vmax.f32 v24, v16  }
0x56: {  	v8 =	vmax.f32 v20, v17;
	v20 =	vmin.f32 v12, v29;
	v17 =	vmin.f32 v12, v16  }
0x57: {  	v25 =	vmax.f32 v27, v19;
	v19 =	vmin.f32 v12, v21;
	v17 =	vmax.f32 v17, v13  }
.Ltmp1:
0x58: {  	v23 =	vmax.f32 v15, v23;
	v14 =	vmax.f32 v14, v21;
	v24 =	vmin.f32 v12, v13;
	[tilespmem:s30+$0x0] =	vst v11;
	(pc) =	sbr.rel @p0 .LBB2_6-.Ltmp1, $4  }
0x59: {  	v15 =	vmin.f32 v12, v8;
	v13 =	vmin.f32 v12, v23;
	v21 =	vmax.f32 v11, v22;
	[tilespmem:s30+$0x10] =	vst v10  }
0x5a: {  	v15 =	vmax.f32 v15, v28;
	v13 =	vmax.f32 v13, v8;
	v8 =	vmax.f32 v10, v21  }
0x5b: {  	v19 =	vmax.f32 v19, v29;
	v28 =	vmin.f32 v12, v18;
	v21 =	vmin.f32 v10, v21  }
0x5c: {  	s29 =	sadd.s32 $0x40, s29;
	v26 =	vmin.f32 v11, v22;
	v27 =	vmin.f32 v11, v19;
	v22 =	vmin.f32 v11, v13  }
0x5d: {  	v16 =	vld [tilespmem:s26+$0x10]  }
0x5e: {  	v14 =	vld [tilespmem:s26+$0x0]  }
0x5f: {  	v17 =	vld [tilespmem:s25+$0xFFFFFFE0]  }
0x60: {  	v18 =	vld [tilespmem:s26+$0xFFFFFFE0]  }
0x61: {  	v12 =	vmax.f32 v28, v23;
	v19 =	vld [tilespmem:s25+$0xFFFFFFF0]  }
0x62: {  	v20 =	vld [tilespmem:s25+$0x0];
	v11 =	vmin.f32 v11, v12  }
0x63: {  	v11 =	vmax.f32 v11, v13;
	v13 =	vld [tilespmem:s26+$0xFFFFFFF0]  }
0x64: {  	v12 =	vmax.f32 v22, v15;
	v10 =	vmin.f32 v10, v11;
	v11 =	vsub.f32 v17, v8  }
0x65: {  	v21 =	vld [tilespmem:s25+$0x10];
	v10 =	vmax.f32 v10, v12;
	v15 =	vand.u32 $0xFFFFFF80, v16;
	v22 =	vand.u32 $0xFFFFFF80, v14  }
0x66: {  	s31 =	simm.s32 $0x106E0;
	v23 =	vand.u32 $0xFFFFFF80, v18;
	v24 =	vsub.f32 v19, v8;
	v25 =	vmul.f32 $1.442695020e+00, v11  }
0x67: {  	v29 =	vld [tilespmem:s31+$0xFFFFFFF0];
	v26 =	vsub.f32 v20, v8;
	v11 =	vand.u32 $0x7F, v18;
	v18 =	vadd.s32 v6, v23  }
0x68: {  	v12 =	vld [tilespmem:s31+$0x10];
	v24 =	vmul.f32 $1.442695020e+00, v24;
	v27 =	vand.u32 $0xFFFFFF80, v13;
	(erf) = vpow2.f32 v25  }
0x69: {  	s28 =	simm.s32 $0x10060;
	v23 =	vld [tilespmem:s31+$0x0];
	v28 =	vand.u32 $0x7F, v13;
	v26 =	vmul.f32 $1.442695020e+00, v26;
	v18 =	vor.u32 v11, v18  }
0x6a: {  	v13 =	vld [tilespmem:s28+$0x0];
	v27 =	vadd.s32 v6, v27;
	v25 =	vsub.f32 v21, v8;
	(erf) = vpow2.f32 v24  }
0x6b: {  	v22 =	vadd.s32 v6, v22;
	v11 =	vld [tilespmem:s28+$0x10];
	v27 =	vor.u32 v28, v27;
	v24 =	vand.u32 $0x7F, v14  }
0x6c: {  	v28 =	vld [tilespmem:s31+$0xFFFFFFE0];
	v22 =	vor.u32 v24, v22;
	v24 =	vmul.f32 $1.442695020e+00, v25;
	(erf) = vpow2.f32 v26  }
0x6d: {  	vm0 =	vge.f32 v21, v10;
	vm1 =	vge.f32 v20, v10;
	vm2 =	vge.f32 v17, v10;
	v14 =	vld [tilespmem:s28+$0xFFFFFFF0]  }
0x6e: {  	v15 =	vadd.s32 v6, v15;
	v30 =	vld.idx.msk [tilespmem:v18+s10+$0x0], $0xffff;
	v18 =	vand.u32 $0x7F, v16;
	(erf) = vpow2.f32 v24  }
0x6f: {  	vm3 =	vge.f32 v19, v10;
	v20 =	vand.u32 $0x7F, v29;
	v16 =	vld [tilespmem:s28+$0xFFFFFFE0];
	v31 =	vor.u32 v18, v15  }
0x70: {  	v19 =	vand.u32 $0xFFFFFF80, v23;
	v17 =	vand.u32 $0x7F, v23;
	v21 =	vsub.f32 v13, v8;
	v32 =	vld.idx.msk [tilespmem:v27+s10+$0x0], $0xffff  }
0x71: {  	v24 =	vand.u32 $0xFFFFFF80, v29;
	v15 =	vand.u32 $0xFFFFFF80, v12;
	v18 =	vsub.f32 v11, v8;
	v23 =	vpop (erf)  }
0x72: {  	v29 =	vand.u32 $0xFFFFFF80, v28;
	v26 =	vand.u32 $0x7F, v28;
	v33 =	vnsel vm2, $0x0, v23;
	v23 =	vld.idx.msk [tilespmem:v22+s10+$0x0], $0xffff  }
0x73: {  	v24 =	vadd.s32 v6, v24;
	v25 =	vsub.f32 v14, v8;
	v28 =	vpop (erf);
	v34 =	vmul.f32 v33, v30  }
0x74: {  	v27 =	vsub.f32 v16, v8;
	v22 =	vld.idx.msk [tilespmem:v31+s10+$0x0], $0xffff;
	v30 =	vadd.s32 v6, v29;
	v28 =	vnsel vm3, $0x0, v28  }
0x75: {  	s29 =	simm.s32 $0x4;
	s30 =	simm.s32 $0x10720;
	s26 =	simm.s32 $0x10060;
	v31 =	vadd.f32 v33, v9;
	[tilespmem:s25+$0xFFFFFFE0] =	vst v34;
	v29 =	vadd.f32 v34, v9;
	v9 =	vmul.f32 v28, v32;
	v32 =	vpop (erf)  }
.LBB2_8:
0x76: {  	v33 =	vld [tilespmem:s30+$0x10];
	v27 =	vmul.f32 $1.442695020e+00, v27;
	v26 =	vor.u32 v26, v30;
	v30 =	vnsel vm1, $0x0, v32  }
0x77: {  	s28 =	sadd.s32 $0x40, s28;
	v32 =	vld [tilespmem:s30+$0x0];
	[tilespmem:s25+$0xFFFFFFF0] =	vst v9;
	v28 =	vadd.f32 v28, v31;
	v9 =	vadd.f32 v9, v29;
	v23 =	vmul.f32 v30, v23;
	v29 =	vpop (erf)  }
0x78: {  	v25 =	vmul.f32 $1.442695020e+00, v25;
	v31 =	vld [tilespmem:s28+$0x10];
	(erf) = vpow2.f32 v27;
	v27 =	vnsel vm0, $0x0, v29  }
0x79: {  	v29 =	vld [tilespmem:s30+$0xFFFFFFF0];
	[tilespmem:s25+$0x0] =	vst v23;
	v28 =	vadd.f32 v30, v28;
	v9 =	vadd.f32 v23, v9;
	v22 =	vmul.f32 v27, v22  }
0x7a: {  	v20 =	vor.u32 v20, v24;
	v21 =	vmul.f32 $1.442695020e+00, v21;
	v23 =	vld [tilespmem:s28+$0x0];
	(erf) = vpow2.f32 v25  }
0x7b: {  	v19 =	vadd.s32 v6, v19;
	v24 =	vld [tilespmem:s30+$0xFFFFFFE0];
	[tilespmem:s25+$0x10] =	vst v22;
	v34 =	vadd.f32 v27, v28;
	v9 =	vadd.f32 v22, v9;
	s25 =	smov.u32 s26;
	s26 =	smov.u32 s28  }
0x7c: {  	v25 =	vor.u32 v17, v19;
	v17 =	vmul.f32 $1.442695020e+00, v18;
	v22 =	vld [tilespmem:s28+$0xFFFFFFF0];
	(erf) = vpow2.f32 v21  }
0x7d: {  	v15 =	vadd.s32 v6, v15;
	vm0 =	vge.f32 v11, v10;
	v18 =	vand.u32 $0x7F, v12;
	v12 =	vmovc v33;
	v28 =	vld.idx.msk [tilespmem:v26+s10+$0x0], $0xffff  }
0x7e: {  	vm1 =	vge.f32 v13, v10;
	v30 =	vor.u32 v18, v15;
	v11 =	vmovc v31;
	v33 =	vld [tilespmem:s28+$0xFFFFFFE0];
	(erf) = vpow2.f32 v17  }
0x7f: {  	s29 =	sadd.s32 $0x4, s29;
	vm2 =	vge.f32 v16, v10;
	vm3 =	vge.f32 v14, v10;
	v15 =	vand.u32 $0xFFFFFF80, v12;
	v35 =	vld.idx.msk [tilespmem:v20+s10+$0x0], $0xffff;
	v13 =	vmovc v23  }
0x80: {  	p0 =	slt.u32 s29, $0x60;
	v19 =	vand.u32 $0xFFFFFF80, v32;
	v17 =	vand.u32 $0x7F, v32;
	v18 =	vsub.f32 v11, v8  }
.Ltmp2:
0x81: {  	v16 =	vand.u32 $0xFFFFFF80, v29;
	v20 =	vand.u32 $0x7F, v29;
	v21 =	vsub.f32 v13, v8;
	v23 =	vld.idx.msk [tilespmem:v25+s10+$0x0], $0xffff;
	v14 =	vpop (erf);
	(pc) =	sbr.rel @p0 .LBB2_8-.Ltmp2, $4  }
0x82: {  	v29 =	vand.u32 $0xFFFFFF80, v24;
	v26 =	vand.u32 $0x7F, v24;
	v31 =	vnsel vm2, $0x0, v14;
	v14 =	vmovc v22  }
0x83: {  	v27 =	vsub.f32 v33, v8;
	v25 =	vsub.f32 v14, v8;
	v36 =	vmul.f32 v31, v28;
	v22 =	vld.idx.msk [tilespmem:v30+s10+$0x0], $0xffff;
	v28 =	vpop (erf)  }
0x84: {  	v24 =	vadd.s32 v6, v16;
	v30 =	vadd.s32 v6, v29;
	v16 =	vmovc v33;
	v28 =	vnsel vm3, $0x0, v28  }
0x85: {  	s30 =	sadd.s32 $0x40, s30;
	v31 =	vadd.f32 v31, v34;
	[tilespmem:s25+$0xFFFFFFE0] =	vst v36;
	v29 =	vadd.f32 v36, v9;
	v9 =	vmul.f32 v28, v35;
	v32 =	vpop (erf)  }
0x86: {  	v8 =	vmul.f32 $1.442695020e+00, v27;
	_ =	sdelay $0x1  }
0x87: {  	(erf) = vpow2.f32 v8  }
0x88: {  	v25 =	vmul.f32 $1.442695020e+00, v25;
	v8 =	vor.u32 v26, v30;
	_ =	sdelay $0x1  }
0x89: {  	v21 =	vmul.f32 $1.442695020e+00, v21;
	(erf) = vpow2.f32 v25  }
0x8a: {  	v59 =	vnsel vm1, $0x0, v32;
	v20 =	vor.u32 v20, v24;
	v19 =	vadd.s32 v6, v19  }
0x8b: {  	v18 =	vmul.f32 $1.442695020e+00, v18;
	v12 =	vand.u32 $0x7F, v12;
	v15 =	vadd.s32 v6, v15  }
0x8c: {  	vm12 =	vge.f32 v16, v10;
	v60 =	vadd.f32 v28, v31;
	(erf) = vpow2.f32 v21;
	v8 =	vld.idx.msk [tilespmem:v8+s10+$0x0], $0xffff  }
0x8d: {  	v23 =	vmul.f32 v59, v23;
	v17 =	vor.u32 v17, v19;
	v19 =	vpop (erf);
	v21 =	vadd.f32 v9, v29  }
0x8e: {  	v12 =	vor.u32 v12, v15;
	(erf) = vpow2.f32 v18;
	v18 =	vnsel vm0, $0x0, v19  }
0x8f: {  	v19 =	vadd.f32 v59, v60;
	v15 =	vadd.f32 v23, v21;
	v21 =	vmul.f32 v18, v22;
	v16 =	vpop (erf)  }
0x90: {  	v20 =	vld.idx.msk [tilespmem:v20+s10+$0x0], $0xffff;
	v16 =	vnsel vm12, $0x0, v16  }
0x91: {  	v18 =	vadd.f32 v18, v19;
	v15 =	vadd.f32 v21, v15;
	v8 =	vmul.f32 v16, v8  }
0x92: {  	vm13 =	vge.f32 v14, v10;
	vm14 =	vge.f32 v13, v10;
	v17 =	vld.idx.msk [tilespmem:v17+s10+$0x0], $0xffff;
	v14 =	vpop (erf)  }
0x93: {  	v16 =	vadd.f32 v16, v18;
	v13 =	vnsel vm13, $0x0, v14;
	v14 =	vadd.f32 v8, v15  }
0x94: {  	v12 =	vld.idx.msk [tilespmem:v12+s10+$0x0], $0xffff  }
0x95: {  	v18 =	vpop (erf);
	v15 =	vmul.f32 v13, v20;
	v13 =	vadd.f32 v13, v16  }
0x96: {  	vm15 =	vge.f32 v11, v10;
	[tilespmem:s25+$0xFFFFFFF0] =	vst v9;
	v10 =	vnsel vm14, $0x0, v18  }
0x97: {  	[tilespmem:s25+$0x0] =	vst v23;
	v11 =	vmul.f32 v10, v17;
	v9 =	vadd.f32 v15, v14;
	v10 =	vadd.f32 v10, v13;
	v14 =	vpop (erf)  }
0x98: {  	[tilespmem:s25+$0x10] =	vst v21;
	v13 =	vnsel vm15, $0x0, v14  }
0x99: {  	[tilespmem:s26+$0xFFFFFFE0] =	vst v8;
	v9 =	vadd.f32 v11, v9;
	v12 =	vmul.f32 v13, v12;
	v10 =	vadd.f32 v13, v10  }
0x9a: {  	[tilespmem:s26+$0xFFFFFFF0] =	vst v15  }
0x9b: {  	[tilespmem:s26+$0x0] =	vst v11;
	v8 =	vadd.f32 v12, v9;
	v9 =	vmul.f32 $9.999999930e-09, v10  }
0x9c: {  	s29 =	simm.s32 $0x106A0;
	[tilespmem:s26+$0x10] =	vst v12  }
0x9d: {  	v11 =	vld [tilespmem:s29+$0xFFFFFFF0];
	v8 =	vadd.f32 v9, v8  }
0x9e: {  	v12 =	vld [tilespmem:s29+$0x0]  }
0x9f: {  	v9 =	vld [tilespmem:s29+$0x10];
	(erf) = vrcp.f32 v8;
	_ =	sdelay $0x1  }
0xa0: {  	s30 =	simm.s32 $0x10020;
	v8 =	vld [tilespmem:s29+$0xFFFFFFE0]  }
0xa1: {  	v13 =	vld [tilespmem:s30+$0x10]  }
0xa2: {  	v15 =	vld [tilespmem:s30+$0xFFFFFFF0]  }
0xa3: {  	s31 =	simm.s32 $0x106E0;
	v16 =	vld [tilespmem:s30+$0x0];
	v17 =	vand.u32 $0xFFFFFF80, v11;
	v18 =	vand.u32 $0xFFFFFF80, v12;
	v10 =	vand.u32 $0xFFFFFF80, v9  }
0xa4: {  	v20 =	vld [tilespmem:s31+$0x10];
	v19 =	vand.u32 $0x7F, v11;
	v9 =	vand.u32 $0x7F, v9;
	v10 =	vadd.s32 v7, v10  }
0xa5: {  	v22 =	vand.u32 $0x7F, v12;
	v14 =	vand.u32 $0xFFFFFF80, v8;
	v21 =	vor.u32 v9, v10;
	v10 =	vld [tilespmem:s31+$0xFFFFFFE0]  }
0xa6: {  	v11 =	vld [tilespmem:s31+$0xFFFFFFF0];
	v17 =	vadd.s32 v7, v17;
	v9 =	vand.u32 $0x7F, v8;
	v14 =	vadd.s32 v7, v14  }
0xa7: {  	v18 =	vadd.s32 v7, v18;
	v17 =	vor.u32 v19, v17;
	v9 =	vor.u32 v9, v14;
	v14 =	vld [tilespmem:s31+$0x0];
	v8 =	vpop (erf)  }
0xa8: {  	s25 =	simm.s32 $0x10060;
	v12 =	vld [tilespmem:s30+$0xFFFFFFE0];
	v23 =	vmul.f32 v13, v8;
	v13 =	vor.u32 v22, v18  }
0xa9: {  	v62 =	vand.u32 $0x7F, v20;
	v15 =	vmul.f32 v15, v8;
	v18 =	vld [tilespmem:s25+$0x10];
	v22 =	vand.u32 $0xFFFFFF80, v20  }
0xaa: {  	v19 =	vld [tilespmem:s25+$0xFFFFFFF0];
	v16 =	vmul.f32 v16, v8;
	v61 =	vand.u32 $0xFFFFFF80, v10;
	v63 =	vadd.s32 v7, v22  }
0xab: {  	s28 =	simm.s32 $0x10720;
	s26 =	simm.s32 $0x4;
	v20 =	vld [tilespmem:s25+$0x0];
	v22 =	vadd.s32 v7, v61;
	[tilespmem:v21+s14+$0x0] =	vst.idx.msk $0xffff, v23;
	v23 =	vand.u32 $0xFFFFFF80, v11;
	v21 =	vor.u32 v62, v63  }
.LBB2_10:
0xac: {  	v24 =	vld [tilespmem:s28+$0x10];
	s26 =	sadd.s32 $0x4, s26;
	v25 =	vand.u32 $0x7F, v10;
	v23 =	vadd.s32 v7, v23;
	v26 =	vand.u32 $0xFFFFFF80, v14;
	[tilespmem:v17+s14+$0x0] =	vst.idx.msk $0xffff, v15  }
0xad: {  	v17 =	vand.u32 $0x7F, v11;
	v27 =	vand.u32 $0x7F, v14;
	v10 =	vld [tilespmem:s28+$0xFFFFFFE0];
	p0 =	slt.u32 s26, $0x60;
	v26 =	vadd.s32 v7, v26;
	[tilespmem:v13+s14+$0x0] =	vst.idx.msk $0xffff, v16  }
0xae: {  	v22 =	vor.u32 v25, v22;
	v25 =	vmul.f32 v12, v8;
	v11 =	vld [tilespmem:s28+$0xFFFFFFF0];
	v18 =	vmul.f32 v18, v8  }
.Ltmp3:
0xaf: {  	v17 =	vor.u32 v17, v23;
	v13 =	vor.u32 v27, v26;
	v14 =	vld [tilespmem:s28+$0x0];
	v15 =	vmul.f32 v19, v8;
	(pc) =	sbr.rel @p0 .LBB2_10-.Ltmp3, $4  }
0xb0: {  	v12 =	vld [tilespmem:s25+$0xFFFFFFE0];
	v16 =	vmul.f32 v20, v8;
	[tilespmem:v21+s14+$0x0] =	vst.idx.msk $0xffff, v18;
	s25 =	sadd.s32 $0x40, s25  }
0xb1: {  	v18 =	vld [tilespmem:s25+$0x10];
	v20 =	vand.u32 $0xFFFFFF80, v24;
	[tilespmem:v9+s14+$0x0] =	vst.idx.msk $0xffff, v25;
	v9 =	vmov v22  }
0xb2: {  	v24 =	vand.u32 $0x7F, v24;
	v21 =	vand.u32 $0xFFFFFF80, v10;
	v19 =	vld [tilespmem:s25+$0xFFFFFFF0];
	v25 =	vadd.s32 v7, v20  }
0xb3: {  	s28 =	sadd.s32 $0x40, s28;
	v22 =	vadd.s32 v7, v21;
	v23 =	vand.u32 $0xFFFFFF80, v11;
	v20 =	vld [tilespmem:s25+$0x0];
	v21 =	vor.u32 v24, v25  }
0xb4: {  	_ =	sdelay $0x1  }
0xb5: {  	v23 =	vadd.s32 v7, v23;
	v24 =	vand.u32 $0xFFFFFF80, v14;
	v11 =	vand.u32 $0x7F, v11  }
0xb6: {  	v59 =	vand.u32 $0x7F, v14;
	v60 =	vld [tilespmem:s25+$0xFFFFFFE0];
	v7 =	vadd.s32 v7, v24;
	v11 =	vor.u32 v11, v23  }
0xb7: {  	v10 =	vand.u32 $0x7F, v10;
	[tilespmem:v17+s14+$0x0] =	vst.idx.msk $0xffff, v15;
	s24 =	sadd.s32 $0x1, s24;
	v12 =	vmul.f32 v12, v8;
	v7 =	vor.u32 v59, v7  }
0xb8: {  	[tilespmem:v13+s14+$0x0] =	vst.idx.msk $0xffff, v16;
	v10 =	vor.u32 v10, v22;
	p0 =	sne.s32 s24, $0x8;
	v61 =	vmul.f32 v18, v8  }
.Ltmp4:
0xb9: {  	v62 =	vmul.f32 v19, v8;
	[tilespmem:v9+s14+$0x0] =	vst.idx.msk $0xffff, v12;
	(pc) =	sbr.rel @p0 .LBB2_5-.Ltmp4, $4  }
0xba: {  	[tilespmem:v21+s14+$0x0] =	vst.idx.msk $0xffff, v61;
	v63 =	vmul.f32 v20, v8  }
0xbb: {  	v8 =	vmul.f32 v60, v8;
	[tilespmem:v11+s14+$0x0] =	vst.idx.msk $0xffff, v62  }
0xbc: {  	[tilespmem:v7+s14+$0x0] =	vst.idx.msk $0xffff, v63  }
0xbd: {  	[tilespmem:v10+s14+$0x0] =	vst.idx.msk $0xffff, v8  }
0xbe: {  	s23 =	sadd.s32 s3, s23  }
0xbf: {  	[hbm4b:s23+s4] =	stream.linear.scatter [tilespmem:s14], [sflag:$0x3], $0x4000, $0x38;
	[tilespmem:$0x10E00] =	vst v63  }
0xc0: {  	p0 =	seq.s32 s20, $0xF;
	_ =	swait.ge [sflag:s15], $0x4000  }
0xc1: {  	p1 =	seq.s32 @!p0 s20, $0x0;
	[sflag:s15] =	ssyncset.done $0x0  }
0xc2: {  	s22 =	sadd.s32 @!p0 s22, s8;
	s23 =	simm.s32 @!p0 $0x0;
	[sflag:s15] =	ssyncadd.s32 $0xFFFFC000  }
0xc3: {  	[tilespmem:s23], [sflag:$0x1] =	stream.linear.gather @!p0 [hbm4b:s22+s23], $0x4000, $0x38;
	[tilespmem:$0x10E00] =	vst v63  }
0xc4: {  	p0 =	por p0, !p1  }
0xc5: {  	_ =	swait.ge @p0 [sflag:s18], $0x4000  }
0xc6: {  	[sflag:s18] =	ssyncset.done @p0 $0x0  }
0xc7: {  	s22 =	simm.s32 $0x0;
	[sflag:s18] =	ssyncadd.s32 @p0 $0xFFFFC000  }
.LBB2_13:
0xc8: {  	s24 =	simm.s32 $0x106A0  }
0xc9: {  	v8 =	vld [tilespmem:s24+$0xFFFFFFE0];
	_ =	sdelay $0x1  }
0xca: {  	s23 =	sshll.u32 s22, $0x4;
	v9 =	vld [tilespmem:s24+$0xFFFFFFF0]  }
0xcb: {  	v7 =	vmov s23;
	v10 =	vld [tilespmem:s24+$0x0]  }
0xcc: {  	v7 =	vshll.u32 v7, $0x7  }
0xcd: {  	v11 =	vld [tilespmem:s24+$0x10];
	v7 =	vor.u32 v5, v7;
	v12 =	vand.u32 $0xFFFFFF80, v8  }
0xce: {  	v8 =	vand.u32 $0x7F, v8;
	v12 =	vadd.s32 v7, v12  }
0xcf: {  	v13 =	vand.u32 $0xFFFFFF80, v9;
	v8 =	vor.u32 v8, v12  }
0xd0: {  	v9 =	vand.u32 $0x7F, v9;
	v12 =	vadd.s32 v7, v13;
	v13 =	vand.u32 $0xFFFFFF80, v10  }
0xd1: {  	v10 =	vand.u32 $0x7F, v10;
	v9 =	vor.u32 v9, v12;
	v12 =	vadd.s32 v7, v13  }
0xd2: {  	v13 =	vand.u32 $0xFFFFFF80, v11;
	v10 =	vor.u32 v10, v12  }
0xd3: {  	v11 =	vand.u32 $0x7F, v11;
	v12 =	vadd.s32 v7, v13  }
0xd4: {  	v12 =	vor.u32 v11, v12;
	v8 =	vld.idx.msk [tilespmem:v8+s13+$0x0], $0xffff;
	_ =	sdelay $0x1  }
0xd5: {  	v11 =	vld.idx.msk [tilespmem:v9+s13+$0x0], $0xffff  }
0xd6: {  	v10 =	vld.idx.msk [tilespmem:v10+s13+$0x0], $0xffff  }
0xd7: {  	v13 =	vimm.f32 $-Inf  }
0xd8: {  	s23 =	simm.s32 $0x10020;
	v9 =	vld.idx.msk [tilespmem:v12+s13+$0x0], $0xffff;
	v12 =	vmin.f32 v8, v13  }
0xd9: {  	v14 =	vmax.f32 v8, v13;
	[tilespmem:s23+$0xFFFFFFE0] =	vst v8;
	v16 =	vmax.f32 v12, v13  }
0xda: {  	v12 =	vmin.f32 v11, v14;
	v14 =	vmax.f32 v11, v14;
	[tilespmem:s23+$0xFFFFFFF0] =	vst v11;
	v20 =	vmin.f32 v11, v16  }
0xdb: {  	v24 =	vmin.f32 v11, v16;
	v13 =	vmax.f32 v12, v16;
	v12 =	vmax.f32 v10, v14;
	[tilespmem:s23+$0x0] =	vst v10  }
0xdc: {  	v26 =	vmin.f32 v10, v14;
	v25 =	vmovc v16;
	v18 =	vmovc v16;
	v23 =	vmov v16;
	v17 =	vmax.f32 v24, v16  }
0xdd: {  	v15 =	vmax.f32 v24, v16;
	v8 =	vmax.f32 v9, v12;
	v21 =	vmin.f32 v9, v12;
	[tilespmem:s23+$0x10] =	vst v9  }
0xde: {  	s25 =	simm.s32 $0x0;
	s26 =	simm.s32 $0x106E0;
	s28 =	simm.s32 $0x10020;
	v28 =	vmovc v24;
	v27 =	vmin.f32 v10, v15;
	v22 =	vmin.f32 v10, v15;
	v19 =	vmovc v15;
	v12 =	vmov v15  }
.LBB2_14:
0xdf: {  	v14 =	vld [tilespmem:s26+$0xFFFFFFE0];
	s25 =	sadd.s32 $0x4, s25;
	v16 =	vmax.f32 v20, v16;
	v20 =	vmax.f32 v24, v25;
	v11 =	vmin.f32 v11, v25;
	s28 =	sadd.s32 $0x40, s28  }
0xe0: {  	v29 =	vmin.f32 v10, v17;
	v24 =	vld [tilespmem:s26+$0x0];
	p0 =	slt.u32 s25, $0x60;
	v25 =	vmin.f32 v10, v16;
	v30 =	vmin.f32 v10, v20  }
0xe1: {  	v11 =	vmax.f32 v11, v18;
	v18 =	vmax.f32 v28, v23;
	v20 =	vmax.f32 v29, v20;
	v31 =	vld [tilespmem:s26+$0xFFFFFFF0]  }
0xe2: {  	v17 =	vmax.f32 v25, v17;
	v23 =	vmax.f32 v30, v11;
	v11 =	vmin.f32 v10, v11  }
0xe3: {  	v16 =	vmax.f32 v27, v16;
	v25 =	vmax.f32 v26, v13;
	v26 =	vmin.f32 v9, v23  }
0xe4: {  	v15 =	vmax.f32 v22, v15;
	v27 =	vand.u32 $0xFFFFFF80, v14;
	v14 =	vand.u32 $0x7F, v14  }
0xe5: {  	v21 =	vmax.f32 v21, v25;
	v22 =	vadd.s32 v7, v27;
	v27 =	vand.u32 $0xFFFFFF80, v24;
	v28 =	vld [tilespmem:s26+$0x10]  }
0xe6: {  	v29 =	vmin.f32 v9, v17;
	v14 =	vor.u32 v14, v22;
	v22 =	vand.u32 $0x7F, v31  }
0xe7: {  	v13 =	vmin.f32 v10, v13;
	v30 =	vand.u32 $0xFFFFFF80, v31;
	v27 =	vadd.s32 v7, v27  }
0xe8: {  	v13 =	vmax.f32 v13, v19;
	v24 =	vand.u32 $0x7F, v24;
	v30 =	vadd.s32 v7, v30  }
0xe9: {  	v19 =	vor.u32 v22, v30;
	v22 =	vmax.f32 v11, v18;
	v11 =	vmin.f32 v9, v25  }
0xea: {  	v24 =	vor.u32 v24, v27;
	v27 =	vmin.f32 v9, v13;
	v25 =	vand.u32 $0xFFFFFF80, v28  }
0xeb: {  	v13 =	vmax.f32 v11, v13;
	v30 =	vld.idx.msk [tilespmem:v14+s13+$0x0], $0xffff;
	v14 =	vand.u32 $0x7F, v28;
	v25 =	vadd.s32 v7, v25  }
0xec: {  	v10 =	vmin.f32 v10, v18;
	v11 =	vmin.f32 v9, v16;
	v25 =	vor.u32 v14, v25  }
0xed: {  	v10 =	vmax.f32 v10, v12;
	v12 =	vmax.f32 v11, v17;
	v14 =	vmin.f32 v9, v22  }
0xee: {  	v16 =	vmax.f32 v27, v16;
	v17 =	vmax.f32 v14, v10;
	v10 =	vmin.f32 v9, v10;
	v11 =	vld.idx.msk [tilespmem:v19+s13+$0x0], $0xffff  }
0xef: {  	v9 =	vmin.f32 v9, v20;
	v19 =	vmax.f32 v29, v20;
	v10 =	vmax.f32 v10, v15  }
0xf0: {  	v22 =	vmax.f32 v26, v22;
	v14 =	vimm.f32 $0.0e+00;
	v15 =	vmax.f32 v9, v23  }
0xf1: {  	v9 =	vmin.f32 v30, v8;
	v18 =	vmin.f32 v30, v21;
	v20 =	vmin.f32 v30, v17;
	[tilespmem:s28+$0xFFFFFFE0] =	vst v30  }
0xf2: {  	v23 =	vmin.f32 v30, v16;
	v26 =	vmin.f32 v30, v12;
	v27 =	vmax.f32 v20, v10  }
0xf3: {  	v8 =	vmax.f32 v30, v8;
	v12 =	vmax.f32 v23, v12;
	v20 =	vmin.f32 v30, v22;
	v10 =	vld.idx.msk [tilespmem:v24+s13+$0x0], $0xffff  }
0xf4: {  	v21 =	vmax.f32 v9, v21;
	v23 =	vmin.f32 v30, v13;
	v24 =	vmin.f32 v30, v19;
	v9 =	vld.idx.msk [tilespmem:v25+s13+$0x0], $0xffff  }
0xf5: {  	v28 =	vmax.f32 v18, v13;
	v13 =	vmin.f32 v11, v8;
	v18 =	vmax.f32 v24, v15;
	[tilespmem:s28+$0xFFFFFFF0] =	vst v11  }
0xf6: {  	v16 =	vmax.f32 v23, v16;
	v29 =	vmax.f32 v11, v8;
	v15 =	vmin.f32 v30, v15  }
0xf7: {  	v8 =	vmax.f32 v20, v17;
	v20 =	vmin.f32 v11, v28;
	v17 =	vmin.f32 v11, v16  }
0xf8: {  	v25 =	vmax.f32 v26, v19;
	v19 =	vmin.f32 v11, v21;
	v17 =	vmax.f32 v17, v12  }
.Ltmp5:
0xf9: {  	v13 =	vmax.f32 v13, v21;
	v24 =	vmin.f32 v11, v12;
	v23 =	vmax.f32 v15, v22;
	[tilespmem:s28+$0x0] =	vst v10;
	(pc) =	sbr.rel @p0 .LBB2_14-.Ltmp5, $4  }
0xfa: {  	v15 =	vmin.f32 v11, v8;
	v12 =	vmin.f32 v11, v23;
	v21 =	vmax.f32 v10, v29;
	[tilespmem:s28+$0x10] =	vst v9  }
0xfb: {  	v15 =	vmax.f32 v15, v27;
	v12 =	vmax.f32 v12, v8;
	v8 =	vmax.f32 v9, v21  }
0xfc: {  	v19 =	vmax.f32 v19, v28;
	v28 =	vmin.f32 v11, v18;
	v21 =	vmin.f32 v9, v21  }
0xfd: {  	s26 =	sadd.s32 $0x40, s26;
	v26 =	vmin.f32 v10, v29;
	v27 =	vmin.f32 v10, v19;
	v22 =	vmin.f32 v10, v12  }
0xfe: {  	v16 =	vld [tilespmem:s24+$0x10]  }
0xff: {  	v13 =	vld [tilespmem:s24+$0x0]  }
0x100: {  	v17 =	vld [tilespmem:s23+$0xFFFFFFE0]  }
0x101: {  	v18 =	vld [tilespmem:s24+$0xFFFFFFE0]  }
0x102: {  	v11 =	vmax.f32 v28, v23;
	v19 =	vld [tilespmem:s23+$0xFFFFFFF0]  }
0x103: {  	v20 =	vld [tilespmem:s23+$0x0];
	v10 =	vmin.f32 v10, v11  }
0x104: {  	v10 =	vmax.f32 v10, v12;
	v12 =	vld [tilespmem:s24+$0xFFFFFFF0]  }
0x105: {  	v11 =	vmax.f32 v22, v15;
	v9 =	vmin.f32 v9, v10;
	v10 =	vsub.f32 v17, v8  }
0x106: {  	v21 =	vld [tilespmem:s23+$0x10];
	v9 =	vmax.f32 v9, v11;
	v15 =	vand.u32 $0xFFFFFF80, v16;
	v22 =	vand.u32 $0xFFFFFF80, v13  }
0x107: {  	s31 =	simm.s32 $0x106E0;
	v23 =	vand.u32 $0xFFFFFF80, v18;
	v24 =	vsub.f32 v19, v8;
	v25 =	vmul.f32 $1.442695020e+00, v10  }
0x108: {  	v29 =	vld [tilespmem:s31+$0xFFFFFFF0];
	v26 =	vsub.f32 v20, v8;
	v10 =	vand.u32 $0x7F, v18;
	v18 =	vadd.s32 v6, v23  }
0x109: {  	v11 =	vld [tilespmem:s31+$0x10];
	v24 =	vmul.f32 $1.442695020e+00, v24;
	v27 =	vand.u32 $0xFFFFFF80, v12;
	(erf) = vpow2.f32 v25  }
0x10a: {  	s25 =	simm.s32 $0x10060;
	v23 =	vld [tilespmem:s31+$0x0];
	v28 =	vand.u32 $0x7F, v12;
	v26 =	vmul.f32 $1.442695020e+00, v26;
	v18 =	vor.u32 v10, v18  }
0x10b: {  	v12 =	vld [tilespmem:s25+$0x0];
	v27 =	vadd.s32 v6, v27;
	v25 =	vsub.f32 v21, v8;
	(erf) = vpow2.f32 v24  }
0x10c: {  	v22 =	vadd.s32 v6, v22;
	v10 =	vld [tilespmem:s25+$0x10];
	v27 =	vor.u32 v28, v27;
	v24 =	vand.u32 $0x7F, v13  }
0x10d: {  	v28 =	vld [tilespmem:s31+$0xFFFFFFE0];
	v22 =	vor.u32 v24, v22;
	v24 =	vmul.f32 $1.442695020e+00, v25;
	(erf) = vpow2.f32 v26  }
0x10e: {  	vm0 =	vge.f32 v21, v9;
	vm1 =	vge.f32 v20, v9;
	vm2 =	vge.f32 v17, v9;
	v13 =	vld [tilespmem:s25+$0xFFFFFFF0]  }
0x10f: {  	v15 =	vadd.s32 v6, v15;
	v30 =	vld.idx.msk [tilespmem:v18+s10+$0x0], $0xffff;
	v18 =	vand.u32 $0x7F, v16;
	(erf) = vpow2.f32 v24  }
0x110: {  	vm3 =	vge.f32 v19, v9;
	v20 =	vand.u32 $0x7F, v29;
	v16 =	vld [tilespmem:s25+$0xFFFFFFE0];
	v31 =	vor.u32 v18, v15  }
0x111: {  	v19 =	vand.u32 $0xFFFFFF80, v23;
	v17 =	vand.u32 $0x7F, v23;
	v21 =	vsub.f32 v12, v8;
	v32 =	vld.idx.msk [tilespmem:v27+s10+$0x0], $0xffff  }
0x112: {  	v24 =	vand.u32 $0xFFFFFF80, v29;
	v15 =	vand.u32 $0xFFFFFF80, v11;
	v18 =	vsub.f32 v10, v8;
	v23 =	vpop (erf)  }
0x113: {  	v29 =	vand.u32 $0xFFFFFF80, v28;
	v26 =	vand.u32 $0x7F, v28;
	v33 =	vnsel vm2, $0x0, v23;
	v23 =	vld.idx.msk [tilespmem:v22+s10+$0x0], $0xffff  }
0x114: {  	v24 =	vadd.s32 v6, v24;
	v25 =	vsub.f32 v13, v8;
	v28 =	vpop (erf);
	v34 =	vmul.f32 v33, v30  }
0x115: {  	v27 =	vsub.f32 v16, v8;
	v22 =	vld.idx.msk [tilespmem:v31+s10+$0x0], $0xffff;
	v30 =	vadd.s32 v6, v29;
	v28 =	vnsel vm3, $0x0, v28  }
0x116: {  	s26 =	simm.s32 $0x4;
	s28 =	simm.s32 $0x10720;
	s24 =	simm.s32 $0x10060;
	v31 =	vadd.f32 v33, v14;
	[tilespmem:s23+$0xFFFFFFE0] =	vst v34;
	v29 =	vadd.f32 v34, v14;
	v14 =	vmul.f32 v28, v32;
	v32 =	vpop (erf)  }
.LBB2_16:
0x117: {  	v33 =	vld [tilespmem:s28+$0x10];
	v27 =	vmul.f32 $1.442695020e+00, v27;
	v26 =	vor.u32 v26, v30;
	v30 =	vnsel vm1, $0x0, v32  }
0x118: {  	s25 =	sadd.s32 $0x40, s25;
	v32 =	vld [tilespmem:s28+$0x0];
	[tilespmem:s23+$0xFFFFFFF0] =	vst v14;
	v28 =	vadd.f32 v28, v31;
	v14 =	vadd.f32 v14, v29;
	v23 =	vmul.f32 v30, v23;
	v29 =	vpop (erf)  }
0x119: {  	v25 =	vmul.f32 $1.442695020e+00, v25;
	v31 =	vld [tilespmem:s25+$0x10];
	(erf) = vpow2.f32 v27;
	v27 =	vnsel vm0, $0x0, v29  }
0x11a: {  	v29 =	vld [tilespmem:s28+$0xFFFFFFF0];
	[tilespmem:s23+$0x0] =	vst v23;
	v28 =	vadd.f32 v30, v28;
	v14 =	vadd.f32 v23, v14;
	v22 =	vmul.f32 v27, v22  }
0x11b: {  	v20 =	vor.u32 v20, v24;
	v21 =	vmul.f32 $1.442695020e+00, v21;
	v23 =	vld [tilespmem:s25+$0x0];
	(erf) = vpow2.f32 v25  }
0x11c: {  	v19 =	vadd.s32 v6, v19;
	v24 =	vld [tilespmem:s28+$0xFFFFFFE0];
	[tilespmem:s23+$0x10] =	vst v22;
	v34 =	vadd.f32 v27, v28;
	v14 =	vadd.f32 v22, v14;
	s23 =	smov.u32 s24;
	s24 =	smov.u32 s25  }
0x11d: {  	v25 =	vor.u32 v17, v19;
	v17 =	vmul.f32 $1.442695020e+00, v18;
	v22 =	vld [tilespmem:s25+$0xFFFFFFF0];
	(erf) = vpow2.f32 v21  }
0x11e: {  	v15 =	vadd.s32 v6, v15;
	vm0 =	vge.f32 v10, v9;
	v18 =	vand.u32 $0x7F, v11;
	v11 =	vmovc v33;
	v28 =	vld.idx.msk [tilespmem:v26+s10+$0x0], $0xffff  }
0x11f: {  	vm1 =	vge.f32 v12, v9;
	v30 =	vor.u32 v18, v15;
	v10 =	vmovc v31;
	v33 =	vld [tilespmem:s25+$0xFFFFFFE0];
	(erf) = vpow2.f32 v17  }
0x120: {  	s26 =	sadd.s32 $0x4, s26;
	vm2 =	vge.f32 v16, v9;
	vm3 =	vge.f32 v13, v9;
	v15 =	vand.u32 $0xFFFFFF80, v11;
	v35 =	vld.idx.msk [tilespmem:v20+s10+$0x0], $0xffff;
	v12 =	vmovc v23  }
0x121: {  	p0 =	slt.u32 s26, $0x60;
	v19 =	vand.u32 $0xFFFFFF80, v32;
	v17 =	vand.u32 $0x7F, v32;
	v18 =	vsub.f32 v10, v8  }
.Ltmp6:
0x122: {  	v16 =	vand.u32 $0xFFFFFF80, v29;
	v20 =	vand.u32 $0x7F, v29;
	v21 =	vsub.f32 v12, v8;
	v23 =	vld.idx.msk [tilespmem:v25+s10+$0x0], $0xffff;
	v13 =	vpop (erf);
	(pc) =	sbr.rel @p0 .LBB2_16-.Ltmp6, $4  }
0x123: {  	v29 =	vand.u32 $0xFFFFFF80, v24;
	v26 =	vand.u32 $0x7F, v24;
	v31 =	vnsel vm2, $0x0, v13;
	v13 =	vmovc v22  }
0x124: {  	v27 =	vsub.f32 v33, v8;
	v25 =	vsub.f32 v13, v8;
	v36 =	vmul.f32 v31, v28;
	v22 =	vld.idx.msk [tilespmem:v30+s10+$0x0], $0xffff;
	v28 =	vpop (erf)  }
0x125: {  	v24 =	vadd.s32 v6, v16;
	v30 =	vadd.s32 v6, v29;
	v16 =	vmovc v33;
	v28 =	vnsel vm3, $0x0, v28  }
0x126: {  	s28 =	sadd.s32 $0x40, s28;
	v31 =	vadd.f32 v31, v34;
	[tilespmem:s23+$0xFFFFFFE0] =	vst v36;
	v29 =	vadd.f32 v36, v14;
	v14 =	vmul.f32 v28, v35;
	v32 =	vpop (erf)  }
0x127: {  	v8 =	vmul.f32 $1.442695020e+00, v27;
	_ =	sdelay $0x1  }
0x128: {  	v25 =	vmul.f32 $1.442695020e+00, v25;
	(erf) = vpow2.f32 v8  }
0x129: {  	v8 =	vor.u32 v26, v30  }
0x12a: {  	v21 =	vmul.f32 $1.442695020e+00, v21;
	(erf) = vpow2.f32 v25  }
0x12b: {  	v59 =	vnsel vm1, $0x0, v32;
	v20 =	vor.u32 v20, v24;
	v19 =	vadd.s32 v6, v19  }
0x12c: {  	v18 =	vmul.f32 $1.442695020e+00, v18;
	v11 =	vand.u32 $0x7F, v11;
	(erf) = vpow2.f32 v21  }
0x12d: {  	v15 =	vadd.s32 v6, v15;
	v60 =	vadd.f32 v28, v31;
	v17 =	vor.u32 v17, v19  }
0x12e: {  	v23 =	vmul.f32 v59, v23;
	v11 =	vor.u32 v11, v15;
	v19 =	vpop (erf);
	(erf) = vpow2.f32 v18;
	v8 =	vld.idx.msk [tilespmem:v8+s10+$0x0], $0xffff  }
0x12f: {  	v21 =	vadd.f32 v14, v29;
	v18 =	vnsel vm0, $0x0, v19;
	v19 =	vadd.f32 v59, v60  }
0x130: {  	vm12 =	vge.f32 v16, v9;
	v20 =	vld.idx.msk [tilespmem:v20+s10+$0x0], $0xffff  }
0x131: {  	v15 =	vadd.f32 v23, v21;
	v21 =	vmul.f32 v18, v22;
	v18 =	vadd.f32 v18, v19;
	v16 =	vpop (erf)  }
0x132: {  	vm13 =	vge.f32 v13, v9;
	v17 =	vld.idx.msk [tilespmem:v17+s10+$0x0], $0xffff;
	v16 =	vnsel vm12, $0x0, v16  }
0x133: {  	v15 =	vadd.f32 v21, v15;
	v13 =	vpop (erf);
	v8 =	vmul.f32 v16, v8;
	v16 =	vadd.f32 v16, v18  }
0x134: {  	vm14 =	vge.f32 v12, v9;
	v11 =	vld.idx.msk [tilespmem:v11+s10+$0x0], $0xffff;
	v12 =	vnsel vm13, $0x0, v13  }
0x135: {  	v18 =	vpop (erf);
	v13 =	vadd.f32 v8, v15;
	v15 =	vmul.f32 v12, v20;
	v12 =	vadd.f32 v12, v16  }
0x136: {  	vm15 =	vge.f32 v10, v9;
	[tilespmem:s23+$0xFFFFFFF0] =	vst v14;
	v9 =	vnsel vm14, $0x0, v18  }
0x137: {  	[tilespmem:s23+$0x0] =	vst v23;
	v14 =	vpop (erf);
	v10 =	vadd.f32 v15, v13;
	v13 =	vmul.f32 v9, v17;
	v9 =	vadd.f32 v9, v12  }
0x138: {  	[tilespmem:s23+$0x10] =	vst v21;
	v12 =	vnsel vm15, $0x0, v14  }
0x139: {  	[tilespmem:s24+$0xFFFFFFE0] =	vst v8;
	v11 =	vmul.f32 v12, v11;
	v10 =	vadd.f32 v13, v10;
	v9 =	vadd.f32 v12, v9  }
0x13a: {  	[tilespmem:s24+$0xFFFFFFF0] =	vst v15  }
0x13b: {  	[tilespmem:s24+$0x0] =	vst v13;
	v8 =	vadd.f32 v11, v10;
	v9 =	vmul.f32 $9.999999930e-09, v9  }
0x13c: {  	s29 =	simm.s32 $0x106A0;
	[tilespmem:s24+$0x10] =	vst v11  }
0x13d: {  	v11 =	vld [tilespmem:s29+$0xFFFFFFF0];
	v8 =	vadd.f32 v9, v8  }
0x13e: {  	v12 =	vld [tilespmem:s29+$0x0]  }
0x13f: {  	v9 =	vld [tilespmem:s29+$0x10];
	(erf) = vrcp.f32 v8;
	_ =	sdelay $0x1  }
0x140: {  	s30 =	simm.s32 $0x10020;
	v8 =	vld [tilespmem:s29+$0xFFFFFFE0]  }
0x141: {  	v13 =	vld [tilespmem:s30+$0x10]  }
0x142: {  	v15 =	vld [tilespmem:s30+$0xFFFFFFF0]  }
0x143: {  	s31 =	simm.s32 $0x106E0;
	v16 =	vld [tilespmem:s30+$0x0];
	v17 =	vand.u32 $0xFFFFFF80, v11;
	v18 =	vand.u32 $0xFFFFFF80, v12;
	v10 =	vand.u32 $0xFFFFFF80, v9  }
0x144: {  	v20 =	vld [tilespmem:s31+$0x10];
	v19 =	vand.u32 $0x7F, v11;
	v9 =	vand.u32 $0x7F, v9;
	v10 =	vadd.s32 v7, v10  }
0x145: {  	v22 =	vand.u32 $0x7F, v12;
	v14 =	vand.u32 $0xFFFFFF80, v8;
	v21 =	vor.u32 v9, v10;
	v10 =	vld [tilespmem:s31+$0xFFFFFFE0]  }
0x146: {  	v11 =	vld [tilespmem:s31+$0xFFFFFFF0];
	v17 =	vadd.s32 v7, v17;
	v9 =	vand.u32 $0x7F, v8;
	v14 =	vadd.s32 v7, v14  }
0x147: {  	v18 =	vadd.s32 v7, v18;
	v17 =	vor.u32 v19, v17;
	v9 =	vor.u32 v9, v14;
	v14 =	vld [tilespmem:s31+$0x0];
	v8 =	vpop (erf)  }
0x148: {  	s23 =	simm.s32 $0x10060;
	v12 =	vld [tilespmem:s30+$0xFFFFFFE0];
	v23 =	vmul.f32 v13, v8;
	v13 =	vor.u32 v22, v18  }
0x149: {  	v62 =	vand.u32 $0x7F, v20;
	v15 =	vmul.f32 v15, v8;
	v18 =	vld [tilespmem:s23+$0x10];
	v22 =	vand.u32 $0xFFFFFF80, v20  }
0x14a: {  	v19 =	vld [tilespmem:s23+$0xFFFFFFF0];
	v16 =	vmul.f32 v16, v8;
	v61 =	vand.u32 $0xFFFFFF80, v10;
	v63 =	vadd.s32 v7, v22  }
0x14b: {  	s25 =	simm.s32 $0x10720;
	s24 =	simm.s32 $0x4;
	v20 =	vld [tilespmem:s23+$0x0];
	v22 =	vadd.s32 v7, v61;
	[tilespmem:v21+s16+$0x0] =	vst.idx.msk $0xffff, v23;
	v23 =	vand.u32 $0xFFFFFF80, v11;
	v21 =	vor.u32 v62, v63  }
.LBB2_18:
0x14c: {  	v24 =	vld [tilespmem:s25+$0x10];
	s24 =	sadd.s32 $0x4, s24;
	v25 =	vand.u32 $0x7F, v10;
	v23 =	vadd.s32 v7, v23;
	v26 =	vand.u32 $0xFFFFFF80, v14;
	[tilespmem:v17+s16+$0x0] =	vst.idx.msk $0xffff, v15  }
0x14d: {  	v17 =	vand.u32 $0x7F, v11;
	v27 =	vand.u32 $0x7F, v14;
	v10 =	vld [tilespmem:s25+$0xFFFFFFE0];
	p0 =	slt.u32 s24, $0x60;
	v26 =	vadd.s32 v7, v26;
	[tilespmem:v13+s16+$0x0] =	vst.idx.msk $0xffff, v16  }
0x14e: {  	v22 =	vor.u32 v25, v22;
	v25 =	vmul.f32 v12, v8;
	v11 =	vld [tilespmem:s25+$0xFFFFFFF0];
	v18 =	vmul.f32 v18, v8  }
.Ltmp7:
0x14f: {  	v17 =	vor.u32 v17, v23;
	v13 =	vor.u32 v27, v26;
	v14 =	vld [tilespmem:s25+$0x0];
	v15 =	vmul.f32 v19, v8;
	(pc) =	sbr.rel @p0 .LBB2_18-.Ltmp7, $4  }
0x150: {  	v12 =	vld [tilespmem:s23+$0xFFFFFFE0];
	v16 =	vmul.f32 v20, v8;
	[tilespmem:v21+s16+$0x0] =	vst.idx.msk $0xffff, v18;
	s23 =	sadd.s32 $0x40, s23  }
0x151: {  	v18 =	vld [tilespmem:s23+$0x10];
	v20 =	vand.u32 $0xFFFFFF80, v24;
	[tilespmem:v9+s16+$0x0] =	vst.idx.msk $0xffff, v25;
	v9 =	vmov v22  }
0x152: {  	v24 =	vand.u32 $0x7F, v24;
	v21 =	vand.u32 $0xFFFFFF80, v10;
	v19 =	vld [tilespmem:s23+$0xFFFFFFF0];
	v25 =	vadd.s32 v7, v20  }
0x153: {  	s25 =	sadd.s32 $0x40, s25;
	v22 =	vadd.s32 v7, v21;
	v23 =	vand.u32 $0xFFFFFF80, v11;
	v20 =	vld [tilespmem:s23+$0x0];
	v21 =	vor.u32 v24, v25  }
0x154: {  	_ =	sdelay $0x1  }
0x155: {  	v23 =	vadd.s32 v7, v23;
	v24 =	vand.u32 $0xFFFFFF80, v14;
	v11 =	vand.u32 $0x7F, v11  }
0x156: {  	v59 =	vand.u32 $0x7F, v14;
	v60 =	vld [tilespmem:s23+$0xFFFFFFE0];
	v7 =	vadd.s32 v7, v24;
	v11 =	vor.u32 v11, v23  }
0x157: {  	v10 =	vand.u32 $0x7F, v10;
	[tilespmem:v17+s16+$0x0] =	vst.idx.msk $0xffff, v15;
	s22 =	sadd.s32 $0x1, s22;
	v12 =	vmul.f32 v12, v8;
	v7 =	vor.u32 v59, v7  }
0x158: {  	[tilespmem:v13+s16+$0x0] =	vst.idx.msk $0xffff, v16;
	v10 =	vor.u32 v10, v22;
	p0 =	sne.s32 s22, $0x8;
	v61 =	vmul.f32 v18, v8  }
.Ltmp8:
0x159: {  	v62 =	vmul.f32 v19, v8;
	[tilespmem:v9+s16+$0x0] =	vst.idx.msk $0xffff, v12;
	(pc) =	sbr.rel @p0 .LBB2_13-.Ltmp8, $4  }
0x15a: {  	[tilespmem:v21+s16+$0x0] =	vst.idx.msk $0xffff, v61;
	v63 =	vmul.f32 v20, v8  }
0x15b: {  	v8 =	vmul.f32 v60, v8;
	[tilespmem:v11+s16+$0x0] =	vst.idx.msk $0xffff, v62  }
0x15c: {  	[tilespmem:v7+s16+$0x0] =	vst.idx.msk $0xffff, v63  }
0x15d: {  	[tilespmem:v10+s16+$0x0] =	vst.idx.msk $0xffff, v8  }
0x15e: {  	s20 =	sadd.s32 $0x1, s20  }
0x15f: {  	p0 =	sne.s32 s20, $0x10  }
.Ltmp9:
0x160: {  	_ = 	snop;
	(pc) =	sbr.rel @p0 .LBB2_4-.Ltmp9, $3  }
0x161: {  	_ =	sdelay $0x1  }
0x162: {  	s21 =	sadd.s32 s3, s21  }
0x163: {  	[hbm4b:s21+s4] =	stream.linear.scatter [tilespmem:s16], [sflag:$0x4], $0x4000, $0x38;
	[tilespmem:$0x10E00] =	vst v63  }
0x164: {  	s19 =	sadd.s32 $0x1, s19  }
0x165: {  	_ =	swait.ge [sflag:s17], $0x4000;
	p0 =	sne.s32 s19, s9  }
.Ltmp10:
0x166: {  	[sflag:s17] =	ssyncset.done $0x0;
	(pc) =	sbr.rel @p0 .LBB2_1-.Ltmp10, $4  }
0x167: {  	[sflag:s17] =	ssyncadd.s32 $0xFFFFC000  }
0x168: {  	_ =	swait.ge [sflag:s18], $0x4000  }
0x169: {  	[sflag:s18] =	ssyncset.done $0x0  }
0x16a: {  	[sflag:s18] =	ssyncadd.s32 $0xFFFFC000  }
0x16b: {  	_ =	sfence.sel $0x180000  }
0x16c: {  	[bflag:$0x0] =	sbarrier.arrive $0xFFFF  }
0x16d: {  	p0 =	sne.s32 s2, $0x0;
	_ =	strace $0x90000047  }
0x16e: {  	s0 =	sadd.s32 @!p0 $0x100000, s0;
	[bflag:$0x2] =	sbarrier.arrive $0xFFFF  }
0x16f: {  	[sflag:s0] =	ssyncadd.tile.s32 @!p0 $0x1;
	_ =	shalt  }
.Lfunc_end2:
_tile_overlayer_lowered:
.L_overlay_start_2:
0x170: {  	(tag) =	ssettag $0x2  }
0x171: {  	s0 =	rddreg [dreg:$0x0];
	s2 =	stileid.u32  }
0x172: {  	s1 =	rddreg [dreg:$0x1];
	p0 =	sne.s32 s2, $0x0  }
0x173: {  	s3 =	rddreg [dreg:$0x2];
	[bflag:$0x3] =	sbarrier.arrive $0xFFFF;
	s2 =	simm.s32 @!p0 $0x1C05  }
0x174: {  	[timem:s3], [sflag:s2] =	dma.local @!p0 [hbm:s0], s1  }
0x175: {  	s0 =	simm.s32 @!p0 $0x5  }
0x176: {  	_ =	swait.ge @!p0 [sflag:s0], s1  }
0x177: {  	s1 =	ssub.s32 @!p0 $0x0, s1;
	[sflag:s0] =	ssyncset.done @!p0 $0x0  }
0x178: {  	[sflag:s0] =	ssyncadd.s32 @!p0 s1  }
0x179: {  	[bflag:$0x3] =	sbarrier.arrive $0xFFFF  }
0x17a: {  	_ =	shalt  }

</sc_bundles>
